<compile_context>
chip_gen: v7x
topology: tpu7x:2x2x1
jax: 0.10.2.dev20260603
libtpu: 0.0.44.dev20260713+nightly
codegen_flags: <defaults>
</compile_context>

<pallas_src>
import functools

import jax
import jax.numpy as jnp
from jax import lax
from jax.experimental import pallas as pl
from jax.experimental.pallas import tpu as pltpu
from jax.experimental.pallas import tpu_sc as plsc

_NC = 2
_NS = 16
_NW = _NC * _NS
_G = 7


def _make_gather(b, f, d):
  spw = b // _NW
  nin = spw * f
  nq = spw * _G
  npr = nq * 4
  mesh = plsc.VectorSubcoreMesh(core_axis_name="c", subcore_axis_name="s")

  @functools.partial(
      pl.kernel,
      out_type=(
          jax.ShapeDtypeStruct((b * _G, 128), jnp.float32),
          jax.ShapeDtypeStruct((b, 128), jnp.float32),
      ),
      mesh=mesh,
      compiler_params=pltpu.CompilerParams(use_tc_tiling_on_sc=False,
                                           needs_layout_passes=False),
      scratch_types=[
          pltpu.VMEM((spw, 32), jnp.int32),
          pltpu.VMEM((npr,), jnp.int32),
          pltpu.VMEM((npr, d), jnp.float32),
          pltpu.VMEM((npr,), jnp.float32),
          pltpu.VMEM((spw, 1), jnp.float32),
          pltpu.SemaphoreType.DMA,
          pltpu.SemaphoreType.DMA,
      ],
  )
  def gather(idx_hbm, emb_hbm, wide_hbm, emb_out, wsum_out,
             idx_v, idxp_v, rows_v, wvals_v, wsum_v, sem, wsem):
    wid = lax.axis_index("s") * _NC + lax.axis_index("c")
    pltpu.sync_copy(idx_hbm.at[pl.ds(wid * spw, spw), pl.ds(0, 32)], idx_v)

    lane = lax.iota(jnp.int32, 16)
    l_hi = lane >> 2
    l_lo = lane & 3
    pad_ok = l_lo < (f - 4 * (_G - 1))

    def _perm(i, _):
      for half in range(2):
        sp = half * 4 + l_hi
        for j in range(_G):
          cols = jnp.full((16,), 4 * j, jnp.int32) + l_lo
          if j == _G - 1:
            cols = jnp.where(pad_ok, cols, 0)
          vals = plsc.load_gather(idx_v, [8 * i + sp, cols])
          dst = nq * l_lo + (8 * _G) * i + 8 * j + sp
          plsc.store_scatter(idxp_v, [dst], vals)
      return _

    lax.fori_loop(0, spw // 8, _perm, 0)
    cp = pltpu.async_copy(emb_hbm.at[idxp_v], rows_v, sem)
    wp = pltpu.async_copy(wide_hbm.at[idxp_v], wvals_v, wsem)
    wp.wait()

    zero16 = jnp.zeros((16,), jnp.int32)

    def _one(g, _):
      s16 = g * 16 + lane
      boff = (8 * _G) * (s16 >> 3) + (s16 & 7)

      def _k(k, acc):
        off = boff + nq * (k & 3) + 8 * (k >> 2)
        return acc + plsc.load_gather(wvals_v, [off])

      acc = lax.fori_loop(0, f, _k, jnp.zeros((16,), jnp.float32))
      plsc.store_scatter(wsum_v, [s16, zero16], acc)
      return _

    lax.fori_loop(0, spw // 16, _one, 0)
    cp.wait()

    for q in range(4):
      pltpu.sync_copy(
          rows_v.at[pl.ds(q * nq, nq)],
          emb_out.at[pl.ds(wid * nq, nq), pl.ds(q * d, d)])
    pltpu.sync_copy(wsum_v,
                    wsum_out.at[pl.ds(wid * spw, spw), pl.ds(0, 1)])

  return gather


def _mlp_body(x_ref, wv_ref, w0_ref, b0_ref, w1_ref, b1_ref, w2_ref, b2_ref,
              wo_ref, bo_ref, o_ref, *, bb):
  xr = x_ref[...].reshape(bb // 8, _G, 8, 128)
  acc = b0_ref[...].astype(jnp.float32)
  h = jnp.zeros((bb, 512), jnp.float32) + acc
  for j in range(_G):
    xj = xr[:, j].reshape(bb, 128).astype(jnp.bfloat16)
    h = h + jnp.dot(xj, w0_ref[j * 128:(j + 1) * 128, :].astype(jnp.bfloat16),
                    preferred_element_type=jnp.float32)
  h = jnp.maximum(h, 0.0)
  h = jnp.maximum(
      jnp.dot(h.astype(jnp.bfloat16), w1_ref[...].astype(jnp.bfloat16),
              preferred_element_type=jnp.float32) + b1_ref[...], 0.0)
  h = jnp.maximum(
      jnp.dot(h.astype(jnp.bfloat16), w2_ref[...].astype(jnp.bfloat16),
              preferred_element_type=jnp.float32) + b2_ref[...], 0.0)
  deep = jnp.dot(h, wo_ref[...], preferred_element_type=jnp.float32)
  wide = wv_ref[:, 0:1]
  logits = deep + wide + bo_ref[0, 0]
  o_ref[...] = 1.0 / (1.0 + jnp.exp(-logits))


def _mlp_call(x, wv, W0p, b0, W1, b1, W2, b2, Wo, bo, bb):
  bsz = wv.shape[0]
  h = W1.shape[0]
  grid = (bsz // bb,)
  return pl.pallas_call(
      functools.partial(_mlp_body, bb=bb),
      grid=grid,
      in_specs=[
          pl.BlockSpec((bb * _G, 128), lambda i: (i, 0)),
          pl.BlockSpec((bb, 128), lambda i: (i, 0)),
          pl.BlockSpec((_G * 128, h), lambda i: (0, 0)),
          pl.BlockSpec((1, h), lambda i: (0, 0)),
          pl.BlockSpec((h, h), lambda i: (0, 0)),
          pl.BlockSpec((1, h), lambda i: (0, 0)),
          pl.BlockSpec((h, h), lambda i: (0, 0)),
          pl.BlockSpec((1, h), lambda i: (0, 0)),
          pl.BlockSpec((h, 1), lambda i: (0, 0)),
          pl.BlockSpec((1, 1), lambda i: (0, 0)),
      ],
      out_specs=pl.BlockSpec((bb, 1), lambda i: (i, 0)),
      out_shape=jax.ShapeDtypeStruct((bsz, 1), jnp.float32),
  )(x, wv, W0p, b0, W1, b1, W2, b2, Wo, bo)


def kernel(inputs, emb_table, wide_table, W0, b0, W1, b1, W2, b2, Wo, bo):
  bsz, f = inputs.shape
  v, d = emb_table.shape
  h = W0.shape[1]

  idx_pad = jnp.pad(inputs.astype(jnp.int32) ^ 0, ((0, 0), (0, 128 - f)))
  wide_flat = wide_table.reshape(v)
  W0p = jnp.pad(W0, ((0, _G * 128 - f * d), (0, 0)))
  b0r, b1r, b2r = b0.reshape(1, h), b1.reshape(1, h), b2.reshape(1, h)
  bor = bo.reshape(1, 1)

  gather = _make_gather(bsz, f, d)
  emb_g, wsum = gather(idx_pad, emb_table, wide_flat)
  return _mlp_call(emb_g, wsum, W0p, b0r, W1, b1r, W2, b2r, Wo, bor, bb=256)

# --- scband reference (transcript-rebuilt; emitter-appended) ---
"""Pipeline reference for scband-deep-wide-84018150244740 (READ-ONLY COPY).

The authoritative reference and input builder live on the scoring server;
editing this copy changes nothing except your own understanding.
"""

import jax, jax.numpy as jnp
import numpy as np

B = 4096
F = 26
V = 100000
D = 32
H = 512

def setup_inputs(seed: int = 0) -> dict:
    key = jax.random.key(seed)
    ks = jax.random.split(key, 12)
    inputs = jax.random.randint(ks[0], (B, F), 0, V)
    emb_table = jax.random.normal(ks[1], (V, D), dtype=jnp.float32) * 0.02
    wide_table = jax.random.normal(ks[2], (V, 1), dtype=jnp.float32) * 0.02
    W0 = jax.random.normal(ks[3], (F * D, H), dtype=jnp.float32) * (1.0 / np.sqrt(F * D))
    b0 = jnp.zeros((H,), dtype=jnp.float32)
    W1 = jax.random.normal(ks[4], (H, H), dtype=jnp.float32) * (1.0 / np.sqrt(H))
    b1 = jnp.zeros((H,), dtype=jnp.float32)
    W2 = jax.random.normal(ks[5], (H, H), dtype=jnp.float32) * (1.0 / np.sqrt(H))
    b2 = jnp.zeros((H,), dtype=jnp.float32)
    Wo = jax.random.normal(ks[6], (H, 1), dtype=jnp.float32) * (1.0 / np.sqrt(H))
    bo = jnp.zeros((1,), dtype=jnp.float32)
    return {"inputs": inputs, "emb_table": emb_table, "wide_table": wide_table,
            "W0": W0, "b0": b0, "W1": W1, "b1": b1, "W2": W2, "b2": b2,
            "Wo": Wo, "bo": bo}

def reference(inputs, emb_table, wide_table, W0, b0, W1, b1, W2, b2, Wo, bo):
    # deep embedding lookup: [B, F, D] -> flatten [B, F*D]
    emb = jnp.take(emb_table, inputs, axis=0)
    emb = emb.reshape(inputs.shape[0], F * D)
    # wide: per-feature scalar embedding summed over fields -> [B, 1]
    latent_wide = jnp.sum(jnp.take(wide_table, inputs, axis=0), axis=1)
    # deep MLP: num_hidden=3 relu layers of dim_hidden, then dim_out=1
    h = jnp.maximum(emb @ W0 + b0, 0.0)
    h = jnp.maximum(h @ W1 + b1, 0.0)
    h = jnp.maximum(h @ W2 + b2, 0.0)
    latent_deep = h @ Wo + bo
    logits = latent_deep + latent_wide
    return jax.nn.sigmoid(logits)

if __name__ == "__main__":
    import jax
    _d = setup_inputs()
    print(jax.jit(kernel)(*tuple(_d.values())))

</pallas_src>

<mosaic_0001>
#map = affine_map<(d0, d1) -> (0, 0)>
#map1 = affine_map<(d0, d1) -> (0)>
module attributes {stable_mosaic.version = 14 : i64} {
  func.func @gather(%arg0: i32, %arg1: i32, %arg2: memref<4096x128xi32, #tpu.memory_space<hbm>>, %arg3: memref<100000x32xf32, #tpu.memory_space<hbm>>, %arg4: memref<100000xf32, #tpu.memory_space<hbm>>, %arg5: memref<28672x128xf32, #tpu.memory_space<hbm>>, %arg6: memref<4096x128xf32, #tpu.memory_space<hbm>>, %arg7: memref<128x32xi32, #tpu.memory_space<vmem>>, %arg8: memref<3584xi32, #tpu.memory_space<vmem>>, %arg9: memref<3584x32xf32, #tpu.memory_space<vmem>>, %arg10: memref<3584xf32, #tpu.memory_space<vmem>>, %arg11: memref<128x1xf32, #tpu.memory_space<vmem>>, %arg12: memref<!tpu.dma_semaphore, #tpu.memory_space<semaphore_mem>>, %arg13: memref<!tpu.dma_semaphore, #tpu.memory_space<semaphore_mem>>) attributes {dimension_semantics = [#tpu.dimension_semantics<core_parallel>, #tpu.dimension_semantics<subcore_parallel>], iteration_bounds = array<i64: 2, 16>, scalar_prefetch = 0 : i64, scratch_operands = 7 : i64, tpu.core_type = #tpu.core_type<sc_vector_subcore>, window_params = [{transform_indices = #map}, {transform_indices = #map}, {transform_indices = #map1}, {transform_indices = #map}, {transform_indices = #map}]} {
    %mul3A = arith.constant 2 : i32
    %mul3A_0 = arith.muli %arg1, %mul3A : i32
    %add3A = arith.addi %mul3A_0, %arg0 : i32
    %mul3A_1 = arith.constant 128 : i32
    %mul3A_2 = arith.muli %add3A, %mul3A_1 : i32
    "tpu.region"() ({
      %run_scoped3A = tpu.sem_alloc : memref<!tpu.dma_semaphore, #tpu.memory_space<semaphore_mem>>
      %dma_start3A_39 = arith.constant 0 : i32
      %dma_start3A_40 = tpu.memref_slice %arg2[%mul3A_2, %dma_start3A_39] : memref<4096x128xi32, #tpu.memory_space<hbm>> -> memref<128x32xi32, #tpu.memory_space<hbm>>
      %dma_start3A_41 = arith.constant 0 : i32
      %dma_start3A_42 = tpu.memref_slice %arg2[%mul3A_2, %dma_start3A_41] : memref<4096x128xi32, #tpu.memory_space<hbm>> -> memref<128x32xi32, #tpu.memory_space<hbm>>
      tpu.enqueue_dma source(%dma_start3A_42 : memref<128x32xi32, #tpu.memory_space<hbm>>) target(%arg7 : memref<128x32xi32, #tpu.memory_space<vmem>>) target_semaphore(%run_scoped3A : memref<!tpu.dma_semaphore, #tpu.memory_space<semaphore_mem>>)
      %dma_wait3A_43 = arith.constant 0 : i32
      %dma_wait3A_44 = tpu.memref_slice %arg2[%mul3A_2, %dma_wait3A_43] : memref<4096x128xi32, #tpu.memory_space<hbm>> -> memref<128x32xi32, #tpu.memory_space<hbm>>
      %dma_wait3A_45 = arith.constant 0 : i32
      %dma_wait3A_46 = tpu.memref_slice %arg2[%mul3A_2, %dma_wait3A_45] : memref<4096x128xi32, #tpu.memory_space<hbm>> -> memref<128x32xi32, #tpu.memory_space<hbm>>
      tpu.wait_dma2 semaphore(%run_scoped3A : memref<!tpu.dma_semaphore, #tpu.memory_space<semaphore_mem>>) src(%dma_wait3A_46 : memref<128x32xi32, #tpu.memory_space<hbm>>) dst(%arg7 : memref<128x32xi32, #tpu.memory_space<vmem>>)
      tpu.yield
    }) : () -> ()
    %iota3A = tpu.iota {dimensions = array<i32: 0>} : vector<16xi32>
    %shift_right_arithmetic3A = arith.constant 2 : i32
    %shift_right_arithmetic3A_3 = vector.broadcast %shift_right_arithmetic3A : i32 to vector<16xi32>
    %shift_right_arithmetic3A_4 = arith.shrsi %iota3A, %shift_right_arithmetic3A_3 : vector<16xi32>
    %and3A = arith.constant 3 : i32
    %and3A_5 = vector.broadcast %and3A : i32 to vector<16xi32>
    %and3A_6 = arith.andi %iota3A, %and3A_5 : vector<16xi32>
    %lt3A = arith.constant 2 : i32
    %lt3A_7 = vector.broadcast %lt3A : i32 to vector<16xi32>
    %lt3A_8 = arith.cmpi slt, %and3A_6, %lt3A_7 : vector<16xi32>
    %scan3A = arith.constant 0 : i32
    %scan3A_9 = arith.constant 0 : i32
    %scan3A_10 = arith.constant 16 : i32
    %scan3A_11 = arith.addi %scan3A_9, %scan3A_10 : i32
    %scan3A_12 = arith.constant 1 : i32
    scf.for %scan3A_39 = %scan3A_9 to %scan3A_11 step %scan3A_12  : i32 {
      %add3A_40 = arith.constant 0 : i32
      %add3A_41 = vector.broadcast %add3A_40 : i32 to vector<16xi32>
      %add3A_42 = arith.addi %add3A_41, %shift_right_arithmetic3A_4 : vector<16xi32>
      %broadcast_in_dim3A_43 = arith.constant 0 : i32
      %broadcast_in_dim3A_44 = vector.broadcast %broadcast_in_dim3A_43 : i32 to vector<16xi32>
      %add3A_45 = arith.addi %broadcast_in_dim3A_44, %and3A_6 : vector<16xi32>
      %mul3A_46 = arith.constant 8 : i32
      %mul3A_47 = arith.muli %mul3A_46, %scan3A_39 : i32
      %add3A_48 = vector.broadcast %mul3A_47 : i32 to vector<16xi32>
      %add3A_49 = arith.addi %add3A_48, %add3A_42 : vector<16xi32>
      %gather3A = tpu.vector_load_idx %arg7[%add3A_49, %add3A_45] : memref<128x32xi32, #tpu.memory_space<vmem>>[vector<16xi32>, vector<16xi32>], vector<16xi32>,
      %mul3A_50 = arith.constant 896 : i32
      %mul3A_51 = vector.broadcast %mul3A_50 : i32 to vector<16xi32>
      %mul3A_52 = arith.muli %mul3A_51, %and3A_6 : vector<16xi32>
      %mul3A_53 = arith.constant 56 : i32
      %mul3A_54 = arith.muli %mul3A_53, %scan3A_39 : i32
      %add3A_55 = vector.broadcast %mul3A_54 : i32 to vector<16xi32>
      %add3A_56 = arith.addi %mul3A_52, %add3A_55 : vector<16xi32>
      %add3A_57 = arith.constant 0 : i32
      %add3A_58 = vector.broadcast %add3A_57 : i32 to vector<16xi32>
      %add3A_59 = arith.addi %add3A_56, %add3A_58 : vector<16xi32>
      %add3A_60 = arith.addi %add3A_59, %add3A_42 : vector<16xi32>
      tpu.vector_store_idx %arg8[%add3A_60], %gather3A : memref<3584xi32, #tpu.memory_space<vmem>>[vector<16xi32>], vector<16xi32>,
      %broadcast_in_dim3A_61 = arith.constant 4 : i32
      %broadcast_in_dim3A_62 = vector.broadcast %broadcast_in_dim3A_61 : i32 to vector<16xi32>
      %add3A_63 = arith.addi %broadcast_in_dim3A_62, %and3A_6 : vector<16xi32>
      %mul3A_64 = arith.constant 8 : i32
      %mul3A_65 = arith.muli %mul3A_64, %scan3A_39 : i32
      %add3A_66 = vector.broadcast %mul3A_65 : i32 to vector<16xi32>
      %add3A_67 = arith.addi %add3A_66, %add3A_42 : vector<16xi32>
      %gather3A_68 = tpu.vector_load_idx %arg7[%add3A_67, %add3A_63] : memref<128x32xi32, #tpu.memory_space<vmem>>[vector<16xi32>, vector<16xi32>], vector<16xi32>,
      %mul3A_69 = arith.constant 896 : i32
      %mul3A_70 = vector.broadcast %mul3A_69 : i32 to vector<16xi32>
      %mul3A_71 = arith.muli %mul3A_70, %and3A_6 : vector<16xi32>
      %mul3A_72 = arith.constant 56 : i32
      %mul3A_73 = arith.muli %mul3A_72, %scan3A_39 : i32
      %add3A_74 = vector.broadcast %mul3A_73 : i32 to vector<16xi32>
      %add3A_75 = arith.addi %mul3A_71, %add3A_74 : vector<16xi32>
      %add3A_76 = arith.constant 8 : i32
      %add3A_77 = vector.broadcast %add3A_76 : i32 to vector<16xi32>
      %add3A_78 = arith.addi %add3A_75, %add3A_77 : vector<16xi32>
      %add3A_79 = arith.addi %add3A_78, %add3A_42 : vector<16xi32>
      tpu.vector_store_idx %arg8[%add3A_79], %gather3A_68 : memref<3584xi32, #tpu.memory_space<vmem>>[vector<16xi32>], vector<16xi32>,
      %broadcast_in_dim3A_80 = arith.constant 8 : i32
      %broadcast_in_dim3A_81 = vector.broadcast %broadcast_in_dim3A_80 : i32 to vector<16xi32>
      %add3A_82 = arith.addi %broadcast_in_dim3A_81, %and3A_6 : vector<16xi32>
      %mul3A_83 = arith.constant 8 : i32
      %mul3A_84 = arith.muli %mul3A_83, %scan3A_39 : i32
      %add3A_85 = vector.broadcast %mul3A_84 : i32 to vector<16xi32>
      %add3A_86 = arith.addi %add3A_85, %add3A_42 : vector<16xi32>
      %gather3A_87 = tpu.vector_load_idx %arg7[%add3A_86, %add3A_82] : memref<128x32xi32, #tpu.memory_space<vmem>>[vector<16xi32>, vector<16xi32>], vector<16xi32>,
      %mul3A_88 = arith.constant 896 : i32
      %mul3A_89 = vector.broadcast %mul3A_88 : i32 to vector<16xi32>
      %mul3A_90 = arith.muli %mul3A_89, %and3A_6 : vector<16xi32>
      %mul3A_91 = arith.constant 56 : i32
      %mul3A_92 = arith.muli %mul3A_91, %scan3A_39 : i32
      %add3A_93 = vector.broadcast %mul3A_92 : i32 to vector<16xi32>
      %add3A_94 = arith.addi %mul3A_90, %add3A_93 : vector<16xi32>
      %add3A_95 = arith.constant 16 : i32
      %add3A_96 = vector.broadcast %add3A_95 : i32 to vector<16xi32>
      %add3A_97 = arith.addi %add3A_94, %add3A_96 : vector<16xi32>
      %add3A_98 = arith.addi %add3A_97, %add3A_42 : vector<16xi32>
      tpu.vector_store_idx %arg8[%add3A_98], %gather3A_87 : memref<3584xi32, #tpu.memory_space<vmem>>[vector<16xi32>], vector<16xi32>,
      %broadcast_in_dim3A_99 = arith.constant 12 : i32
      %broadcast_in_dim3A_100 = vector.broadcast %broadcast_in_dim3A_99 : i32 to vector<16xi32>
      %add3A_101 = arith.addi %broadcast_in_dim3A_100, %and3A_6 : vector<16xi32>
      %mul3A_102 = arith.constant 8 : i32
      %mul3A_103 = arith.muli %mul3A_102, %scan3A_39 : i32
      %add3A_104 = vector.broadcast %mul3A_103 : i32 to vector<16xi32>
      %add3A_105 = arith.addi %add3A_104, %add3A_42 : vector<16xi32>
      %gather3A_106 = tpu.vector_load_idx %arg7[%add3A_105, %add3A_101] : memref<128x32xi32, #tpu.memory_space<vmem>>[vector<16xi32>, vector<16xi32>], vector<16xi32>,
      %mul3A_107 = arith.constant 896 : i32
      %mul3A_108 = vector.broadcast %mul3A_107 : i32 to vector<16xi32>
      %mul3A_109 = arith.muli %mul3A_108, %and3A_6 : vector<16xi32>
      %mul3A_110 = arith.constant 56 : i32
      %mul3A_111 = arith.muli %mul3A_110, %scan3A_39 : i32
      %add3A_112 = vector.broadcast %mul3A_111 : i32 to vector<16xi32>
      %add3A_113 = arith.addi %mul3A_109, %add3A_112 : vector<16xi32>
      %add3A_114 = arith.constant 24 : i32
      %add3A_115 = vector.broadcast %add3A_114 : i32 to vector<16xi32>
      %add3A_116 = arith.addi %add3A_113, %add3A_115 : vector<16xi32>
      %add3A_117 = arith.addi %add3A_116, %add3A_42 : vector<16xi32>
      tpu.vector_store_idx %arg8[%add3A_117], %gather3A_106 : memref<3584xi32, #tpu.memory_space<vmem>>[vector<16xi32>], vector<16xi32>,
      %broadcast_in_dim3A_118 = arith.constant 16 : i32
      %broadcast_in_dim3A_119 = vector.broadcast %broadcast_in_dim3A_118 : i32 to vector<16xi32>
      %add3A_120 = arith.addi %broadcast_in_dim3A_119, %and3A_6 : vector<16xi32>
      %mul3A_121 = arith.constant 8 : i32
      %mul3A_122 = arith.muli %mul3A_121, %scan3A_39 : i32
      %add3A_123 = vector.broadcast %mul3A_122 : i32 to vector<16xi32>
      %add3A_124 = arith.addi %add3A_123, %add3A_42 : vector<16xi32>
      %gather3A_125 = tpu.vector_load_idx %arg7[%add3A_124, %add3A_120] : memref<128x32xi32, #tpu.memory_space<vmem>>[vector<16xi32>, vector<16xi32>], vector<16xi32>,
      %mul3A_126 = arith.constant 896 : i32
      %mul3A_127 = vector.broadcast %mul3A_126 : i32 to vector<16xi32>
      %mul3A_128 = arith.muli %mul3A_127, %and3A_6 : vector<16xi32>
      %mul3A_129 = arith.constant 56 : i32
      %mul3A_130 = arith.muli %mul3A_129, %scan3A_39 : i32
      %add3A_131 = vector.broadcast %mul3A_130 : i32 to vector<16xi32>
      %add3A_132 = arith.addi %mul3A_128, %add3A_131 : vector<16xi32>
      %add3A_133 = arith.constant 32 : i32
      %add3A_134 = vector.broadcast %add3A_133 : i32 to vector<16xi32>
      %add3A_135 = arith.addi %add3A_132, %add3A_134 : vector<16xi32>
      %add3A_136 = arith.addi %add3A_135, %add3A_42 : vector<16xi32>
      tpu.vector_store_idx %arg8[%add3A_136], %gather3A_125 : memref<3584xi32, #tpu.memory_space<vmem>>[vector<16xi32>], vector<16xi32>,
      %broadcast_in_dim3A_137 = arith.constant 20 : i32
      %broadcast_in_dim3A_138 = vector.broadcast %broadcast_in_dim3A_137 : i32 to vector<16xi32>
      %add3A_139 = arith.addi %broadcast_in_dim3A_138, %and3A_6 : vector<16xi32>
      %mul3A_140 = arith.constant 8 : i32
      %mul3A_141 = arith.muli %mul3A_140, %scan3A_39 : i32
      %add3A_142 = vector.broadcast %mul3A_141 : i32 to vector<16xi32>
      %add3A_143 = arith.addi %add3A_142, %add3A_42 : vector<16xi32>
      %gather3A_144 = tpu.vector_load_idx %arg7[%add3A_143, %add3A_139] : memref<128x32xi32, #tpu.memory_space<vmem>>[vector<16xi32>, vector<16xi32>], vector<16xi32>,
      %mul3A_145 = arith.constant 896 : i32
      %mul3A_146 = vector.broadcast %mul3A_145 : i32 to vector<16xi32>
      %mul3A_147 = arith.muli %mul3A_146, %and3A_6 : vector<16xi32>
      %mul3A_148 = arith.constant 56 : i32
      %mul3A_149 = arith.muli %mul3A_148, %scan3A_39 : i32
      %add3A_150 = vector.broadcast %mul3A_149 : i32 to vector<16xi32>
      %add3A_151 = arith.addi %mul3A_147, %add3A_150 : vector<16xi32>
      %add3A_152 = arith.constant 40 : i32
      %add3A_153 = vector.broadcast %add3A_152 : i32 to vector<16xi32>
      %add3A_154 = arith.addi %add3A_151, %add3A_153 : vector<16xi32>
      %add3A_155 = arith.addi %add3A_154, %add3A_42 : vector<16xi32>
      tpu.vector_store_idx %arg8[%add3A_155], %gather3A_144 : memref<3584xi32, #tpu.memory_space<vmem>>[vector<16xi32>], vector<16xi32>,
      %broadcast_in_dim3A_156 = arith.constant 24 : i32
      %broadcast_in_dim3A_157 = vector.broadcast %broadcast_in_dim3A_156 : i32 to vector<16xi32>
      %add3A_158 = arith.addi %broadcast_in_dim3A_157, %and3A_6 : vector<16xi32>
      %jit3A = arith.constant 0 : i32
      %broadcast_in_dim3A_159 = vector.broadcast %jit3A : i32 to vector<16xi32>
      %select_n3A = arith.select %lt3A_8, %add3A_158, %broadcast_in_dim3A_159 : vector<16xi1>, vector<16xi32>
      %mul3A_160 = arith.constant 8 : i32
      %mul3A_161 = arith.muli %mul3A_160, %scan3A_39 : i32
      %add3A_162 = vector.broadcast %mul3A_161 : i32 to vector<16xi32>
      %add3A_163 = arith.addi %add3A_162, %add3A_42 : vector<16xi32>
      %gather3A_164 = tpu.vector_load_idx %arg7[%add3A_163, %select_n3A] : memref<128x32xi32, #tpu.memory_space<vmem>>[vector<16xi32>, vector<16xi32>], vector<16xi32>,
      %mul3A_165 = arith.constant 896 : i32
      %mul3A_166 = vector.broadcast %mul3A_165 : i32 to vector<16xi32>
      %mul3A_167 = arith.muli %mul3A_166, %and3A_6 : vector<16xi32>
      %mul3A_168 = arith.constant 56 : i32
      %mul3A_169 = arith.muli %mul3A_168, %scan3A_39 : i32
      %add3A_170 = vector.broadcast %mul3A_169 : i32 to vector<16xi32>
      %add3A_171 = arith.addi %mul3A_167, %add3A_170 : vector<16xi32>
      %add3A_172 = arith.constant 48 : i32
      %add3A_173 = vector.broadcast %add3A_172 : i32 to vector<16xi32>
      %add3A_174 = arith.addi %add3A_171, %add3A_173 : vector<16xi32>
      %add3A_175 = arith.addi %add3A_174, %add3A_42 : vector<16xi32>
      tpu.vector_store_idx %arg8[%add3A_175], %gather3A_164 : memref<3584xi32, #tpu.memory_space<vmem>>[vector<16xi32>], vector<16xi32>,
      %add3A_176 = arith.constant 4 : i32
      %add3A_177 = vector.broadcast %add3A_176 : i32 to vector<16xi32>
      %add3A_178 = arith.addi %add3A_177, %shift_right_arithmetic3A_4 : vector<16xi32>
      %broadcast_in_dim3A_179 = arith.constant 0 : i32
      %broadcast_in_dim3A_180 = vector.broadcast %broadcast_in_dim3A_179 : i32 to vector<16xi32>
      %add3A_181 = arith.addi %broadcast_in_dim3A_180, %and3A_6 : vector<16xi32>
      %mul3A_182 = arith.constant 8 : i32
      %mul3A_183 = arith.muli %mul3A_182, %scan3A_39 : i32
      %add3A_184 = vector.broadcast %mul3A_183 : i32 to vector<16xi32>
      %add3A_185 = arith.addi %add3A_184, %add3A_178 : vector<16xi32>
      %gather3A_186 = tpu.vector_load_idx %arg7[%add3A_185, %add3A_181] : memref<128x32xi32, #tpu.memory_space<vmem>>[vector<16xi32>, vector<16xi32>], vector<16xi32>,
      %mul3A_187 = arith.constant 896 : i32
      %mul3A_188 = vector.broadcast %mul3A_187 : i32 to vector<16xi32>
      %mul3A_189 = arith.muli %mul3A_188, %and3A_6 : vector<16xi32>
      %mul3A_190 = arith.constant 56 : i32
      %mul3A_191 = arith.muli %mul3A_190, %scan3A_39 : i32
      %add3A_192 = vector.broadcast %mul3A_191 : i32 to vector<16xi32>
      %add3A_193 = arith.addi %mul3A_189, %add3A_192 : vector<16xi32>
      %add3A_194 = arith.constant 0 : i32
      %add3A_195 = vector.broadcast %add3A_194 : i32 to vector<16xi32>
      %add3A_196 = arith.addi %add3A_193, %add3A_195 : vector<16xi32>
      %add3A_197 = arith.addi %add3A_196, %add3A_178 : vector<16xi32>
      tpu.vector_store_idx %arg8[%add3A_197], %gather3A_186 : memref<3584xi32, #tpu.memory_space<vmem>>[vector<16xi32>], vector<16xi32>,
      %broadcast_in_dim3A_198 = arith.constant 4 : i32
      %broadcast_in_dim3A_199 = vector.broadcast %broadcast_in_dim3A_198 : i32 to vector<16xi32>
      %add3A_200 = arith.addi %broadcast_in_dim3A_199, %and3A_6 : vector<16xi32>
      %mul3A_201 = arith.constant 8 : i32
      %mul3A_202 = arith.muli %mul3A_201, %scan3A_39 : i32
      %add3A_203 = vector.broadcast %mul3A_202 : i32 to vector<16xi32>
      %add3A_204 = arith.addi %add3A_203, %add3A_178 : vector<16xi32>
      %gather3A_205 = tpu.vector_load_idx %arg7[%add3A_204, %add3A_200] : memref<128x32xi32, #tpu.memory_space<vmem>>[vector<16xi32>, vector<16xi32>], vector<16xi32>,
      %mul3A_206 = arith.constant 896 : i32
      %mul3A_207 = vector.broadcast %mul3A_206 : i32 to vector<16xi32>
      %mul3A_208 = arith.muli %mul3A_207, %and3A_6 : vector<16xi32>
      %mul3A_209 = arith.constant 56 : i32
      %mul3A_210 = arith.muli %mul3A_209, %scan3A_39 : i32
      %add3A_211 = vector.broadcast %mul3A_210 : i32 to vector<16xi32>
      %add3A_212 = arith.addi %mul3A_208, %add3A_211 : vector<16xi32>
      %add3A_213 = arith.constant 8 : i32
      %add3A_214 = vector.broadcast %add3A_213 : i32 to vector<16xi32>
      %add3A_215 = arith.addi %add3A_212, %add3A_214 : vector<16xi32>
      %add3A_216 = arith.addi %add3A_215, %add3A_178 : vector<16xi32>
      tpu.vector_store_idx %arg8[%add3A_216], %gather3A_205 : memref<3584xi32, #tpu.memory_space<vmem>>[vector<16xi32>], vector<16xi32>,
      %broadcast_in_dim3A_217 = arith.constant 8 : i32
      %broadcast_in_dim3A_218 = vector.broadcast %broadcast_in_dim3A_217 : i32 to vector<16xi32>
      %add3A_219 = arith.addi %broadcast_in_dim3A_218, %and3A_6 : vector<16xi32>
      %mul3A_220 = arith.constant 8 : i32
      %mul3A_221 = arith.muli %mul3A_220, %scan3A_39 : i32
      %add3A_222 = vector.broadcast %mul3A_221 : i32 to vector<16xi32>
      %add3A_223 = arith.addi %add3A_222, %add3A_178 : vector<16xi32>
      %gather3A_224 = tpu.vector_load_idx %arg7[%add3A_223, %add3A_219] : memref<128x32xi32, #tpu.memory_space<vmem>>[vector<16xi32>, vector<16xi32>], vector<16xi32>,
      %mul3A_225 = arith.constant 896 : i32
      %mul3A_226 = vector.broadcast %mul3A_225 : i32 to vector<16xi32>
      %mul3A_227 = arith.muli %mul3A_226, %and3A_6 : vector<16xi32>
      %mul3A_228 = arith.constant 56 : i32
      %mul3A_229 = arith.muli %mul3A_228, %scan3A_39 : i32
      %add3A_230 = vector.broadcast %mul3A_229 : i32 to vector<16xi32>
      %add3A_231 = arith.addi %mul3A_227, %add3A_230 : vector<16xi32>
      %add3A_232 = arith.constant 16 : i32
      %add3A_233 = vector.broadcast %add3A_232 : i32 to vector<16xi32>
      %add3A_234 = arith.addi %add3A_231, %add3A_233 : vector<16xi32>
      %add3A_235 = arith.addi %add3A_234, %add3A_178 : vector<16xi32>
      tpu.vector_store_idx %arg8[%add3A_235], %gather3A_224 : memref<3584xi32, #tpu.memory_space<vmem>>[vector<16xi32>], vector<16xi32>,
      %broadcast_in_dim3A_236 = arith.constant 12 : i32
      %broadcast_in_dim3A_237 = vector.broadcast %broadcast_in_dim3A_236 : i32 to vector<16xi32>
      %add3A_238 = arith.addi %broadcast_in_dim3A_237, %and3A_6 : vector<16xi32>
      %mul3A_239 = arith.constant 8 : i32
      %mul3A_240 = arith.muli %mul3A_239, %scan3A_39 : i32
      %add3A_241 = vector.broadcast %mul3A_240 : i32 to vector<16xi32>
      %add3A_242 = arith.addi %add3A_241, %add3A_178 : vector<16xi32>
      %gather3A_243 = tpu.vector_load_idx %arg7[%add3A_242, %add3A_238] : memref<128x32xi32, #tpu.memory_space<vmem>>[vector<16xi32>, vector<16xi32>], vector<16xi32>,
      %mul3A_244 = arith.constant 896 : i32
      %mul3A_245 = vector.broadcast %mul3A_244 : i32 to vector<16xi32>
      %mul3A_246 = arith.muli %mul3A_245, %and3A_6 : vector<16xi32>
      %mul3A_247 = arith.constant 56 : i32
      %mul3A_248 = arith.muli %mul3A_247, %scan3A_39 : i32
      %add3A_249 = vector.broadcast %mul3A_248 : i32 to vector<16xi32>
      %add3A_250 = arith.addi %mul3A_246, %add3A_249 : vector<16xi32>
      %add3A_251 = arith.constant 24 : i32
      %add3A_252 = vector.broadcast %add3A_251 : i32 to vector<16xi32>
      %add3A_253 = arith.addi %add3A_250, %add3A_252 : vector<16xi32>
      %add3A_254 = arith.addi %add3A_253, %add3A_178 : vector<16xi32>
      tpu.vector_store_idx %arg8[%add3A_254], %gather3A_243 : memref<3584xi32, #tpu.memory_space<vmem>>[vector<16xi32>], vector<16xi32>,
      %broadcast_in_dim3A_255 = arith.constant 16 : i32
      %broadcast_in_dim3A_256 = vector.broadcast %broadcast_in_dim3A_255 : i32 to vector<16xi32>
      %add3A_257 = arith.addi %broadcast_in_dim3A_256, %and3A_6 : vector<16xi32>
      %mul3A_258 = arith.constant 8 : i32
      %mul3A_259 = arith.muli %mul3A_258, %scan3A_39 : i32
      %add3A_260 = vector.broadcast %mul3A_259 : i32 to vector<16xi32>
      %add3A_261 = arith.addi %add3A_260, %add3A_178 : vector<16xi32>
      %gather3A_262 = tpu.vector_load_idx %arg7[%add3A_261, %add3A_257] : memref<128x32xi32, #tpu.memory_space<vmem>>[vector<16xi32>, vector<16xi32>], vector<16xi32>,
      %mul3A_263 = arith.constant 896 : i32
      %mul3A_264 = vector.broadcast %mul3A_263 : i32 to vector<16xi32>
      %mul3A_265 = arith.muli %mul3A_264, %and3A_6 : vector<16xi32>
      %mul3A_266 = arith.constant 56 : i32
      %mul3A_267 = arith.muli %mul3A_266, %scan3A_39 : i32
      %add3A_268 = vector.broadcast %mul3A_267 : i32 to vector<16xi32>
      %add3A_269 = arith.addi %mul3A_265, %add3A_268 : vector<16xi32>
      %add3A_270 = arith.constant 32 : i32
      %add3A_271 = vector.broadcast %add3A_270 : i32 to vector<16xi32>
      %add3A_272 = arith.addi %add3A_269, %add3A_271 : vector<16xi32>
      %add3A_273 = arith.addi %add3A_272, %add3A_178 : vector<16xi32>
      tpu.vector_store_idx %arg8[%add3A_273], %gather3A_262 : memref<3584xi32, #tpu.memory_space<vmem>>[vector<16xi32>], vector<16xi32>,
      %broadcast_in_dim3A_274 = arith.constant 20 : i32
      %broadcast_in_dim3A_275 = vector.broadcast %broadcast_in_dim3A_274 : i32 to vector<16xi32>
      %add3A_276 = arith.addi %broadcast_in_dim3A_275, %and3A_6 : vector<16xi32>
      %mul3A_277 = arith.constant 8 : i32
      %mul3A_278 = arith.muli %mul3A_277, %scan3A_39 : i32
      %add3A_279 = vector.broadcast %mul3A_278 : i32 to vector<16xi32>
      %add3A_280 = arith.addi %add3A_279, %add3A_178 : vector<16xi32>
      %gather3A_281 = tpu.vector_load_idx %arg7[%add3A_280, %add3A_276] : memref<128x32xi32, #tpu.memory_space<vmem>>[vector<16xi32>, vector<16xi32>], vector<16xi32>,
      %mul3A_282 = arith.constant 896 : i32
      %mul3A_283 = vector.broadcast %mul3A_282 : i32 to vector<16xi32>
      %mul3A_284 = arith.muli %mul3A_283, %and3A_6 : vector<16xi32>
      %mul3A_285 = arith.constant 56 : i32
      %mul3A_286 = arith.muli %mul3A_285, %scan3A_39 : i32
      %add3A_287 = vector.broadcast %mul3A_286 : i32 to vector<16xi32>
      %add3A_288 = arith.addi %mul3A_284, %add3A_287 : vector<16xi32>
      %add3A_289 = arith.constant 40 : i32
      %add3A_290 = vector.broadcast %add3A_289 : i32 to vector<16xi32>
      %add3A_291 = arith.addi %add3A_288, %add3A_290 : vector<16xi32>
      %add3A_292 = arith.addi %add3A_291, %add3A_178 : vector<16xi32>
      tpu.vector_store_idx %arg8[%add3A_292], %gather3A_281 : memref<3584xi32, #tpu.memory_space<vmem>>[vector<16xi32>], vector<16xi32>,
      %broadcast_in_dim3A_293 = arith.constant 24 : i32
      %broadcast_in_dim3A_294 = vector.broadcast %broadcast_in_dim3A_293 : i32 to vector<16xi32>
      %add3A_295 = arith.addi %broadcast_in_dim3A_294, %and3A_6 : vector<16xi32>
      %jit3A_296 = arith.constant 0 : i32
      %broadcast_in_dim3A_297 = vector.broadcast %jit3A_296 : i32 to vector<16xi32>
      %select_n3A_298 = arith.select %lt3A_8, %add3A_295, %broadcast_in_dim3A_297 : vector<16xi1>, vector<16xi32>
      %mul3A_299 = arith.constant 8 : i32
      %mul3A_300 = arith.muli %mul3A_299, %scan3A_39 : i32
      %add3A_301 = vector.broadcast %mul3A_300 : i32 to vector<16xi32>
      %add3A_302 = arith.addi %add3A_301, %add3A_178 : vector<16xi32>
      %gather3A_303 = tpu.vector_load_idx %arg7[%add3A_302, %select_n3A_298] : memref<128x32xi32, #tpu.memory_space<vmem>>[vector<16xi32>, vector<16xi32>], vector<16xi32>,
      %mul3A_304 = arith.constant 896 : i32
      %mul3A_305 = vector.broadcast %mul3A_304 : i32 to vector<16xi32>
      %mul3A_306 = arith.muli %mul3A_305, %and3A_6 : vector<16xi32>
      %mul3A_307 = arith.constant 56 : i32
      %mul3A_308 = arith.muli %mul3A_307, %scan3A_39 : i32
      %add3A_309 = vector.broadcast %mul3A_308 : i32 to vector<16xi32>
      %add3A_310 = arith.addi %mul3A_306, %add3A_309 : vector<16xi32>
      %add3A_311 = arith.constant 48 : i32
      %add3A_312 = vector.broadcast %add3A_311 : i32 to vector<16xi32>
      %add3A_313 = arith.addi %add3A_310, %add3A_312 : vector<16xi32>
      %add3A_314 = arith.addi %add3A_313, %add3A_178 : vector<16xi32>
      tpu.vector_store_idx %arg8[%add3A_314], %gather3A_303 : memref<3584xi32, #tpu.memory_space<vmem>>[vector<16xi32>], vector<16xi32>,
    }
    %scan3A_13 = arith.constant 16 : i32
    %dma_start3A = arith.constant 0 : i32
    %dma_start3A_14 = arith.constant 0 : i32
    %dma_start3A_15 = tpu.memref_slice %arg3[%dma_start3A, %dma_start3A_14] : memref<100000x32xf32, #tpu.memory_space<hbm>> -> memref<100000x32xf32, #tpu.memory_space<hbm>>
    tpu.enqueue_indirect_dma source(%dma_start3A_15 : memref<100000x32xf32, #tpu.memory_space<hbm>>) target(%arg9 : memref<3584x32xf32, #tpu.memory_space<vmem>>) offsets(%arg8 : memref<3584xi32, #tpu.memory_space<vmem>>) semaphore(%arg12 : memref<!tpu.dma_semaphore, #tpu.memory_space<semaphore_mem>>)
    %dma_start3A_16 = arith.constant 0 : i32
    %dma_start3A_17 = tpu.memref_slice %arg4[%dma_start3A_16] : memref<100000xf32, #tpu.memory_space<hbm>> -> memref<100000xf32, #tpu.memory_space<hbm>>
    tpu.enqueue_indirect_dma source(%dma_start3A_17 : memref<100000xf32, #tpu.memory_space<hbm>>) target(%arg10 : memref<3584xf32, #tpu.memory_space<vmem>>) offsets(%arg8 : memref<3584xi32, #tpu.memory_space<vmem>>) semaphore(%arg13 : memref<!tpu.dma_semaphore, #tpu.memory_space<semaphore_mem>>)
    %dma_wait3A = arith.constant 0 : i32
    %dma_wait3A_18 = tpu.memref_slice %arg4[%dma_wait3A] : memref<100000xf32, #tpu.memory_space<hbm>> -> memref<100000xf32, #tpu.memory_space<hbm>>
    tpu.wait_indirect_dma semaphore(%arg13 : memref<!tpu.dma_semaphore, #tpu.memory_space<semaphore_mem>>) src(%dma_wait3A_18 : memref<100000xf32, #tpu.memory_space<hbm>>) dst(%arg10 : memref<3584xf32, #tpu.memory_space<vmem>>)
    %broadcast_in_dim3A = arith.constant 0 : i32
    %broadcast_in_dim3A_19 = vector.broadcast %broadcast_in_dim3A : i32 to vector<16xi32>
    %scan3A_20 = arith.constant 0 : i32
    %scan3A_21 = arith.constant 0 : i32
    %scan3A_22 = arith.constant 8 : i32
    %scan3A_23 = arith.addi %scan3A_21, %scan3A_22 : i32
    %scan3A_24 = arith.constant 1 : i32
    scf.for %scan3A_39 = %scan3A_21 to %scan3A_23 step %scan3A_24  : i32 {
      %mul3A_40 = arith.constant 16 : i32
      %mul3A_41 = arith.muli %scan3A_39, %mul3A_40 : i32
      %add3A_42 = vector.broadcast %mul3A_41 : i32 to vector<16xi32>
      %add3A_43 = arith.addi %add3A_42, %iota3A : vector<16xi32>
      %shift_right_arithmetic3A_44 = arith.constant 3 : i32
      %shift_right_arithmetic3A_45 = vector.broadcast %shift_right_arithmetic3A_44 : i32 to vector<16xi32>
      %shift_right_arithmetic3A_46 = arith.shrsi %add3A_43, %shift_right_arithmetic3A_45 : vector<16xi32>
      %mul3A_47 = arith.constant 56 : i32
      %mul3A_48 = vector.broadcast %mul3A_47 : i32 to vector<16xi32>
      %mul3A_49 = arith.muli %mul3A_48, %shift_right_arithmetic3A_46 : vector<16xi32>
      %and3A_50 = arith.constant 7 : i32
      %and3A_51 = vector.broadcast %and3A_50 : i32 to vector<16xi32>
      %and3A_52 = arith.andi %add3A_43, %and3A_51 : vector<16xi32>
      %add3A_53 = arith.addi %mul3A_49, %and3A_52 : vector<16xi32>
      %broadcast_in_dim3A_54 = arith.constant 0.000000e+00 : f32
      %broadcast_in_dim3A_55 = vector.broadcast %broadcast_in_dim3A_54 : f32 to vector<16xf32>
      %scan3A_56 = arith.constant 0 : i32
      %scan3A_57 = arith.constant 26 : i32
      %scan3A_58 = arith.addi %scan3A_56, %scan3A_57 : i32
      %scan3A_59 = arith.constant 1 : i32
      %scan3A_60 = scf.for %scan3A_62 = %scan3A_56 to %scan3A_58 step %scan3A_59 iter_args(%scan3A_63 = %broadcast_in_dim3A_55) -> (vector<16xf32>)  : i32 {
        %and3A_64 = arith.constant 3 : i32
        %and3A_65 = arith.andi %scan3A_62, %and3A_64 : i32
        %mul3A_66 = arith.constant 896 : i32
        %mul3A_67 = arith.muli %mul3A_66, %and3A_65 : i32
        %add3A_68 = vector.broadcast %mul3A_67 : i32 to vector<16xi32>
        %add3A_69 = arith.addi %add3A_53, %add3A_68 : vector<16xi32>
        %shift_right_arithmetic3A_70 = arith.constant 2 : i32
        %shift_right_arithmetic3A_71 = arith.shrsi %scan3A_62, %shift_right_arithmetic3A_70 : i32
        %mul3A_72 = arith.constant 8 : i32
        %mul3A_73 = arith.muli %mul3A_72, %shift_right_arithmetic3A_71 : i32
        %add3A_74 = vector.broadcast %mul3A_73 : i32 to vector<16xi32>
        %add3A_75 = arith.addi %add3A_69, %add3A_74 : vector<16xi32>
        %gather3A = tpu.vector_load_idx %arg10[%add3A_75] : memref<3584xf32, #tpu.memory_space<vmem>>[vector<16xi32>], vector<16xf32>,
        %add3A_76 = arith.addf %scan3A_63, %gather3A : vector<16xf32>
        scf.yield %add3A_76 : vector<16xf32>
      }
      %scan3A_61 = arith.constant 26 : i32
      tpu.vector_store_idx %arg11[%add3A_43, %broadcast_in_dim3A_19], %scan3A_60 : memref<128x1xf32, #tpu.memory_space<vmem>>[vector<16xi32>, vector<16xi32>], vector<16xf32>,
    }
    %scan3A_25 = arith.constant 8 : i32
    %dma_wait3A_26 = arith.constant 0 : i32
    %dma_wait3A_27 = arith.constant 0 : i32
    %dma_wait3A_28 = tpu.memref_slice %arg3[%dma_wait3A_26, %dma_wait3A_27] : memref<100000x32xf32, #tpu.memory_space<hbm>> -> memref<100000x32xf32, #tpu.memory_space<hbm>>
    tpu.wait_indirect_dma semaphore(%arg12 : memref<!tpu.dma_semaphore, #tpu.memory_space<semaphore_mem>>) src(%dma_wait3A_28 : memref<100000x32xf32, #tpu.memory_space<hbm>>) dst(%arg9 : memref<3584x32xf32, #tpu.memory_space<vmem>>)
    %mul3A_29 = arith.constant 896 : i32
    %mul3A_30 = arith.muli %add3A, %mul3A_29 : i32
    "tpu.region"() ({
      %run_scoped3A = tpu.sem_alloc : memref<!tpu.dma_semaphore, #tpu.memory_space<semaphore_mem>>
      %dma_start3A_39 = arith.constant 0 : i32
      %dma_start3A_40 = arith.constant 0 : i32
      %dma_start3A_41 = tpu.memref_slice %arg9[%dma_start3A_39, %dma_start3A_40] : memref<3584x32xf32, #tpu.memory_space<vmem>> -> memref<896x32xf32, #tpu.memory_space<vmem>>
      %dma_start3A_42 = arith.constant 0 : i32
      %dma_start3A_43 = tpu.memref_slice %arg5[%mul3A_30, %dma_start3A_42] : memref<28672x128xf32, #tpu.memory_space<hbm>> -> memref<896x32xf32, #tpu.memory_space<hbm>>
      %dma_start3A_44 = arith.constant 0 : i32
      %dma_start3A_45 = tpu.memref_slice %arg5[%mul3A_30, %dma_start3A_44] : memref<28672x128xf32, #tpu.memory_space<hbm>> -> memref<896x32xf32, #tpu.memory_space<hbm>>
      %dma_start3A_46 = arith.constant 0 : i32
      %dma_start3A_47 = arith.constant 0 : i32
      %dma_start3A_48 = tpu.memref_slice %arg9[%dma_start3A_46, %dma_start3A_47] : memref<3584x32xf32, #tpu.memory_space<vmem>> -> memref<896x32xf32, #tpu.memory_space<vmem>>
      tpu.enqueue_dma source(%dma_start3A_48 : memref<896x32xf32, #tpu.memory_space<vmem>>) target(%dma_start3A_45 : memref<896x32xf32, #tpu.memory_space<hbm>>) target_semaphore(%run_scoped3A : memref<!tpu.dma_semaphore, #tpu.memory_space<semaphore_mem>>)
      %dma_wait3A_49 = arith.constant 0 : i32
      %dma_wait3A_50 = arith.constant 0 : i32
      %dma_wait3A_51 = tpu.memref_slice %arg9[%dma_wait3A_49, %dma_wait3A_50] : memref<3584x32xf32, #tpu.memory_space<vmem>> -> memref<896x32xf32, #tpu.memory_space<vmem>>
      %dma_wait3A_52 = arith.constant 0 : i32
      %dma_wait3A_53 = tpu.memref_slice %arg5[%mul3A_30, %dma_wait3A_52] : memref<28672x128xf32, #tpu.memory_space<hbm>> -> memref<896x32xf32, #tpu.memory_space<hbm>>
      %dma_wait3A_54 = arith.constant 0 : i32
      %dma_wait3A_55 = tpu.memref_slice %arg5[%mul3A_30, %dma_wait3A_54] : memref<28672x128xf32, #tpu.memory_space<hbm>> -> memref<896x32xf32, #tpu.memory_space<hbm>>
      %dma_wait3A_56 = arith.constant 0 : i32
      %dma_wait3A_57 = arith.constant 0 : i32
      %dma_wait3A_58 = tpu.memref_slice %arg9[%dma_wait3A_56, %dma_wait3A_57] : memref<3584x32xf32, #tpu.memory_space<vmem>> -> memref<896x32xf32, #tpu.memory_space<vmem>>
      tpu.wait_dma2 semaphore(%run_scoped3A : memref<!tpu.dma_semaphore, #tpu.memory_space<semaphore_mem>>) src(%dma_wait3A_58 : memref<896x32xf32, #tpu.memory_space<vmem>>) dst(%dma_wait3A_55 : memref<896x32xf32, #tpu.memory_space<hbm>>)
      tpu.yield
    }) : () -> ()
    %mul3A_31 = arith.constant 896 : i32
    %mul3A_32 = arith.muli %add3A, %mul3A_31 : i32
    "tpu.region"() ({
      %run_scoped3A = tpu.sem_alloc : memref<!tpu.dma_semaphore, #tpu.memory_space<semaphore_mem>>
      %dma_start3A_39 = arith.constant 896 : i32
      %dma_start3A_40 = arith.constant 0 : i32
      %dma_start3A_41 = tpu.memref_slice %arg9[%dma_start3A_39, %dma_start3A_40] : memref<3584x32xf32, #tpu.memory_space<vmem>> -> memref<896x32xf32, #tpu.memory_space<vmem>>
      %dma_start3A_42 = arith.constant 32 : i32
      %dma_start3A_43 = tpu.memref_slice %arg5[%mul3A_32, %dma_start3A_42] : memref<28672x128xf32, #tpu.memory_space<hbm>> -> memref<896x32xf32, #tpu.memory_space<hbm>>
      %dma_start3A_44 = arith.constant 32 : i32
      %dma_start3A_45 = tpu.memref_slice %arg5[%mul3A_32, %dma_start3A_44] : memref<28672x128xf32, #tpu.memory_space<hbm>> -> memref<896x32xf32, #tpu.memory_space<hbm>>
      %dma_start3A_46 = arith.constant 896 : i32
      %dma_start3A_47 = arith.constant 0 : i32
      %dma_start3A_48 = tpu.memref_slice %arg9[%dma_start3A_46, %dma_start3A_47] : memref<3584x32xf32, #tpu.memory_space<vmem>> -> memref<896x32xf32, #tpu.memory_space<vmem>>
      tpu.enqueue_dma source(%dma_start3A_48 : memref<896x32xf32, #tpu.memory_space<vmem>>) target(%dma_start3A_45 : memref<896x32xf32, #tpu.memory_space<hbm>>) target_semaphore(%run_scoped3A : memref<!tpu.dma_semaphore, #tpu.memory_space<semaphore_mem>>)
      %dma_wait3A_49 = arith.constant 896 : i32
      %dma_wait3A_50 = arith.constant 0 : i32
      %dma_wait3A_51 = tpu.memref_slice %arg9[%dma_wait3A_49, %dma_wait3A_50] : memref<3584x32xf32, #tpu.memory_space<vmem>> -> memref<896x32xf32, #tpu.memory_space<vmem>>
      %dma_wait3A_52 = arith.constant 32 : i32
      %dma_wait3A_53 = tpu.memref_slice %arg5[%mul3A_32, %dma_wait3A_52] : memref<28672x128xf32, #tpu.memory_space<hbm>> -> memref<896x32xf32, #tpu.memory_space<hbm>>
      %dma_wait3A_54 = arith.constant 32 : i32
      %dma_wait3A_55 = tpu.memref_slice %arg5[%mul3A_32, %dma_wait3A_54] : memref<28672x128xf32, #tpu.memory_space<hbm>> -> memref<896x32xf32, #tpu.memory_space<hbm>>
      %dma_wait3A_56 = arith.constant 896 : i32
      %dma_wait3A_57 = arith.constant 0 : i32
      %dma_wait3A_58 = tpu.memref_slice %arg9[%dma_wait3A_56, %dma_wait3A_57] : memref<3584x32xf32, #tpu.memory_space<vmem>> -> memref<896x32xf32, #tpu.memory_space<vmem>>
      tpu.wait_dma2 semaphore(%run_scoped3A : memref<!tpu.dma_semaphore, #tpu.memory_space<semaphore_mem>>) src(%dma_wait3A_58 : memref<896x32xf32, #tpu.memory_space<vmem>>) dst(%dma_wait3A_55 : memref<896x32xf32, #tpu.memory_space<hbm>>)
      tpu.yield
    }) : () -> ()
    %mul3A_33 = arith.constant 896 : i32
    %mul3A_34 = arith.muli %add3A, %mul3A_33 : i32
    "tpu.region"() ({
      %run_scoped3A = tpu.sem_alloc : memref<!tpu.dma_semaphore, #tpu.memory_space<semaphore_mem>>
      %dma_start3A_39 = arith.constant 1792 : i32
      %dma_start3A_40 = arith.constant 0 : i32
      %dma_start3A_41 = tpu.memref_slice %arg9[%dma_start3A_39, %dma_start3A_40] : memref<3584x32xf32, #tpu.memory_space<vmem>> -> memref<896x32xf32, #tpu.memory_space<vmem>>
      %dma_start3A_42 = arith.constant 64 : i32
      %dma_start3A_43 = tpu.memref_slice %arg5[%mul3A_34, %dma_start3A_42] : memref<28672x128xf32, #tpu.memory_space<hbm>> -> memref<896x32xf32, #tpu.memory_space<hbm>>
      %dma_start3A_44 = arith.constant 64 : i32
      %dma_start3A_45 = tpu.memref_slice %arg5[%mul3A_34, %dma_start3A_44] : memref<28672x128xf32, #tpu.memory_space<hbm>> -> memref<896x32xf32, #tpu.memory_space<hbm>>
      %dma_start3A_46 = arith.constant 1792 : i32
      %dma_start3A_47 = arith.constant 0 : i32
      %dma_start3A_48 = tpu.memref_slice %arg9[%dma_start3A_46, %dma_start3A_47] : memref<3584x32xf32, #tpu.memory_space<vmem>> -> memref<896x32xf32, #tpu.memory_space<vmem>>
      tpu.enqueue_dma source(%dma_start3A_48 : memref<896x32xf32, #tpu.memory_space<vmem>>) target(%dma_start3A_45 : memref<896x32xf32, #tpu.memory_space<hbm>>) target_semaphore(%run_scoped3A : memref<!tpu.dma_semaphore, #tpu.memory_space<semaphore_mem>>)
      %dma_wait3A_49 = arith.constant 1792 : i32
      %dma_wait3A_50 = arith.constant 0 : i32
      %dma_wait3A_51 = tpu.memref_slice %arg9[%dma_wait3A_49, %dma_wait3A_50] : memref<3584x32xf32, #tpu.memory_space<vmem>> -> memref<896x32xf32, #tpu.memory_space<vmem>>
      %dma_wait3A_52 = arith.constant 64 : i32
      %dma_wait3A_53 = tpu.memref_slice %arg5[%mul3A_34, %dma_wait3A_52] : memref<28672x128xf32, #tpu.memory_space<hbm>> -> memref<896x32xf32, #tpu.memory_space<hbm>>
      %dma_wait3A_54 = arith.constant 64 : i32
      %dma_wait3A_55 = tpu.memref_slice %arg5[%mul3A_34, %dma_wait3A_54] : memref<28672x128xf32, #tpu.memory_space<hbm>> -> memref<896x32xf32, #tpu.memory_space<hbm>>
      %dma_wait3A_56 = arith.constant 1792 : i32
      %dma_wait3A_57 = arith.constant 0 : i32
      %dma_wait3A_58 = tpu.memref_slice %arg9[%dma_wait3A_56, %dma_wait3A_57] : memref<3584x32xf32, #tpu.memory_space<vmem>> -> memref<896x32xf32, #tpu.memory_space<vmem>>
      tpu.wait_dma2 semaphore(%run_scoped3A : memref<!tpu.dma_semaphore, #tpu.memory_space<semaphore_mem>>) src(%dma_wait3A_58 : memref<896x32xf32, #tpu.memory_space<vmem>>) dst(%dma_wait3A_55 : memref<896x32xf32, #tpu.memory_space<hbm>>)
      tpu.yield
    }) : () -> ()
    %mul3A_35 = arith.constant 896 : i32
    %mul3A_36 = arith.muli %add3A, %mul3A_35 : i32
    "tpu.region"() ({
      %run_scoped3A = tpu.sem_alloc : memref<!tpu.dma_semaphore, #tpu.memory_space<semaphore_mem>>
      %dma_start3A_39 = arith.constant 2688 : i32
      %dma_start3A_40 = arith.constant 0 : i32
      %dma_start3A_41 = tpu.memref_slice %arg9[%dma_start3A_39, %dma_start3A_40] : memref<3584x32xf32, #tpu.memory_space<vmem>> -> memref<896x32xf32, #tpu.memory_space<vmem>>
      %dma_start3A_42 = arith.constant 96 : i32
      %dma_start3A_43 = tpu.memref_slice %arg5[%mul3A_36, %dma_start3A_42] : memref<28672x128xf32, #tpu.memory_space<hbm>> -> memref<896x32xf32, #tpu.memory_space<hbm>>
      %dma_start3A_44 = arith.constant 96 : i32
      %dma_start3A_45 = tpu.memref_slice %arg5[%mul3A_36, %dma_start3A_44] : memref<28672x128xf32, #tpu.memory_space<hbm>> -> memref<896x32xf32, #tpu.memory_space<hbm>>
      %dma_start3A_46 = arith.constant 2688 : i32
      %dma_start3A_47 = arith.constant 0 : i32
      %dma_start3A_48 = tpu.memref_slice %arg9[%dma_start3A_46, %dma_start3A_47] : memref<3584x32xf32, #tpu.memory_space<vmem>> -> memref<896x32xf32, #tpu.memory_space<vmem>>
      tpu.enqueue_dma source(%dma_start3A_48 : memref<896x32xf32, #tpu.memory_space<vmem>>) target(%dma_start3A_45 : memref<896x32xf32, #tpu.memory_space<hbm>>) target_semaphore(%run_scoped3A : memref<!tpu.dma_semaphore, #tpu.memory_space<semaphore_mem>>)
      %dma_wait3A_49 = arith.constant 2688 : i32
      %dma_wait3A_50 = arith.constant 0 : i32
      %dma_wait3A_51 = tpu.memref_slice %arg9[%dma_wait3A_49, %dma_wait3A_50] : memref<3584x32xf32, #tpu.memory_space<vmem>> -> memref<896x32xf32, #tpu.memory_space<vmem>>
      %dma_wait3A_52 = arith.constant 96 : i32
      %dma_wait3A_53 = tpu.memref_slice %arg5[%mul3A_36, %dma_wait3A_52] : memref<28672x128xf32, #tpu.memory_space<hbm>> -> memref<896x32xf32, #tpu.memory_space<hbm>>
      %dma_wait3A_54 = arith.constant 96 : i32
      %dma_wait3A_55 = tpu.memref_slice %arg5[%mul3A_36, %dma_wait3A_54] : memref<28672x128xf32, #tpu.memory_space<hbm>> -> memref<896x32xf32, #tpu.memory_space<hbm>>
      %dma_wait3A_56 = arith.constant 2688 : i32
      %dma_wait3A_57 = arith.constant 0 : i32
      %dma_wait3A_58 = tpu.memref_slice %arg9[%dma_wait3A_56, %dma_wait3A_57] : memref<3584x32xf32, #tpu.memory_space<vmem>> -> memref<896x32xf32, #tpu.memory_space<vmem>>
      tpu.wait_dma2 semaphore(%run_scoped3A : memref<!tpu.dma_semaphore, #tpu.memory_space<semaphore_mem>>) src(%dma_wait3A_58 : memref<896x32xf32, #tpu.memory_space<vmem>>) dst(%dma_wait3A_55 : memref<896x32xf32, #tpu.memory_space<hbm>>)
      tpu.yield
    }) : () -> ()
    %mul3A_37 = arith.constant 128 : i32
    %mul3A_38 = arith.muli %add3A, %mul3A_37 : i32
    "tpu.region"() ({
      %run_scoped3A = tpu.sem_alloc : memref<!tpu.dma_semaphore, #tpu.memory_space<semaphore_mem>>
      %dma_start3A_39 = arith.constant 0 : i32
      %dma_start3A_40 = tpu.memref_slice %arg6[%mul3A_38, %dma_start3A_39] : memref<4096x128xf32, #tpu.memory_space<hbm>> -> memref<128x1xf32, #tpu.memory_space<hbm>>
      %dma_start3A_41 = arith.constant 0 : i32
      %dma_start3A_42 = tpu.memref_slice %arg6[%mul3A_38, %dma_start3A_41] : memref<4096x128xf32, #tpu.memory_space<hbm>> -> memref<128x1xf32, #tpu.memory_space<hbm>>
      tpu.enqueue_dma source(%arg11 : memref<128x1xf32, #tpu.memory_space<vmem>>) target(%dma_start3A_42 : memref<128x1xf32, #tpu.memory_space<hbm>>) target_semaphore(%run_scoped3A : memref<!tpu.dma_semaphore, #tpu.memory_space<semaphore_mem>>)
      %dma_wait3A_43 = arith.constant 0 : i32
      %dma_wait3A_44 = tpu.memref_slice %arg6[%mul3A_38, %dma_wait3A_43] : memref<4096x128xf32, #tpu.memory_space<hbm>> -> memref<128x1xf32, #tpu.memory_space<hbm>>
      %dma_wait3A_45 = arith.constant 0 : i32
      %dma_wait3A_46 = tpu.memref_slice %arg6[%mul3A_38, %dma_wait3A_45] : memref<4096x128xf32, #tpu.memory_space<hbm>> -> memref<128x1xf32, #tpu.memory_space<hbm>>
      tpu.wait_dma2 semaphore(%run_scoped3A : memref<!tpu.dma_semaphore, #tpu.memory_space<semaphore_mem>>) src(%arg11 : memref<128x1xf32, #tpu.memory_space<vmem>>) dst(%dma_wait3A_46 : memref<128x1xf32, #tpu.memory_space<hbm>>)
      tpu.yield
    }) : () -> ()
    return
  }
}

module attributes {stable_mosaic.version = 14 : i64} {
  func.func @_mlp_body(%arg0: i32, %arg1: memref<1792x128xf32, #tpu.memory_space<vmem>>, %arg2: memref<256x128xf32, #tpu.memory_space<vmem>>, %arg3: memref<896x512xf32, #tpu.memory_space<vmem>>, %arg4: memref<1x512xf32, #tpu.memory_space<vmem>>, %arg5: memref<512x512xf32, #tpu.memory_space<vmem>>, %arg6: memref<1x512xf32, #tpu.memory_space<vmem>>, %arg7: memref<512x512xf32, #tpu.memory_space<vmem>>, %arg8: memref<1x512xf32, #tpu.memory_space<vmem>>, %arg9: memref<512x1xf32, #tpu.memory_space<vmem>>, %arg10: memref<1x1xf32, #tpu.memory_space<vmem>>, %arg11: memref<256x1xf32, #tpu.memory_space<vmem>>) attributes {dimension_semantics = [#tpu.dimension_semantics<arbitrary>], iteration_bounds = array<i64: 16>, scalar_prefetch = 0 : i64, scratch_operands = 0 : i64, tpu.core_type = #tpu.core_type<tc>, window_params = [{transform_indices = @transform_0, window_bounds = array<i64: 1792, 128>}, {transform_indices = @transform_1, window_bounds = array<i64: 256, 128>}, {pipeline_mode = #tpu.pipeline_mode<synchronous>, transform_indices = @transform_2, window_bounds = array<i64: 896, 512>}, {pipeline_mode = #tpu.pipeline_mode<synchronous>, transform_indices = @transform_3, window_bounds = array<i64: 1, 512>}, {pipeline_mode = #tpu.pipeline_mode<synchronous>, transform_indices = @transform_4, window_bounds = array<i64: 512, 512>}, {pipeline_mode = #tpu.pipeline_mode<synchronous>, transform_indices = @transform_5, window_bounds = array<i64: 1, 512>}, {pipeline_mode = #tpu.pipeline_mode<synchronous>, transform_indices = @transform_6, window_bounds = array<i64: 512, 512>}, {pipeline_mode = #tpu.pipeline_mode<synchronous>, transform_indices = @transform_7, window_bounds = array<i64: 1, 512>}, {pipeline_mode = #tpu.pipeline_mode<synchronous>, transform_indices = @transform_8, window_bounds = array<i64: 512, 1>}, {pipeline_mode = #tpu.pipeline_mode<synchronous>, transform_indices = @transform_9, window_bounds = array<i64: 1, 1>}, {transform_indices = @transform_10, window_bounds = array<i64: 256, 1>}]} {
    %get3A = arith.constant 0 : index
    %get3A_0 = arith.constant 0 : index
    %get3A_1 = vector.load %arg1[%get3A, %get3A_0] : memref<1792x128xf32, #tpu.memory_space<vmem>>, vector<1792x128xf32>
    %reshape3A = vector.shape_cast %get3A_1 : vector<1792x128xf32> to vector<32x7x8x128xf32>
    %get3A_2 = arith.constant 0 : index
    %get3A_3 = arith.constant 0 : index
    %get3A_4 = vector.load %arg4[%get3A_2, %get3A_3] : memref<1x512xf32, #tpu.memory_space<vmem>>, vector<1x512xf32>
    %broadcast_in_dim3A = arith.constant 0.000000e+00 : f32
    %broadcast_in_dim3A_5 = vector.broadcast %broadcast_in_dim3A : f32 to vector<256x512xf32>
    %add3A = vector.broadcast %get3A_4 : vector<1x512xf32> to vector<256x512xf32>
    %add3A_6 = arith.addf %broadcast_in_dim3A_5, %add3A : vector<256x512xf32>
    %slice3A = vector.extract_strided_slice %reshape3A {offsets = [0, 0, 0, 0], sizes = [32, 1, 8, 128], strides = [1, 1, 1, 1]} : vector<32x7x8x128xf32> to vector<32x1x8x128xf32>
    %squeeze3A = vector.shape_cast %slice3A : vector<32x1x8x128xf32> to vector<32x8x128xf32>
    %reshape3A_7 = vector.shape_cast %squeeze3A : vector<32x8x128xf32> to vector<256x128xf32>
    %convert_element_type3A = arith.truncf %reshape3A_7 : vector<256x128xf32> to vector<256x128xbf16>
    %get3A_8 = arith.constant 0 : index
    %get3A_9 = arith.constant 0 : index
    %get3A_10 = vector.load %arg3[%get3A_8, %get3A_9] : memref<896x512xf32, #tpu.memory_space<vmem>>, vector<128x512xf32>
    %convert_element_type3A_11 = arith.truncf %get3A_10 : vector<128x512xf32> to vector<128x512xbf16>
    %dot_general3A = arith.constant dense<0.000000e+00> : vector<256x512xf32>
    %dot_general3A_12 = tpu.matmul %convert_element_type3A, %convert_element_type3A_11, %dot_general3A {dimension_numbers = #tpu.dot_dimension_numbers<[1], [0], [0], [1], [0, 0, 1, 1], [], []>, transpose_lhs_hint = false} : vector<256x128xbf16>, vector<128x512xbf16>, vector<256x512xf32> -> vector<256x512xf32>
    %add3A_13 = arith.addf %add3A_6, %dot_general3A_12 : vector<256x512xf32>
    %slice3A_14 = vector.extract_strided_slice %reshape3A {offsets = [0, 1, 0, 0], sizes = [32, 1, 8, 128], strides = [1, 1, 1, 1]} : vector<32x7x8x128xf32> to vector<32x1x8x128xf32>
    %squeeze3A_15 = vector.shape_cast %slice3A_14 : vector<32x1x8x128xf32> to vector<32x8x128xf32>
    %reshape3A_16 = vector.shape_cast %squeeze3A_15 : vector<32x8x128xf32> to vector<256x128xf32>
    %convert_element_type3A_17 = arith.truncf %reshape3A_16 : vector<256x128xf32> to vector<256x128xbf16>
    %get3A_18 = arith.constant 128 : index
    %get3A_19 = arith.constant 0 : index
    %get3A_20 = vector.load %arg3[%get3A_18, %get3A_19] : memref<896x512xf32, #tpu.memory_space<vmem>>, vector<128x512xf32>
    %convert_element_type3A_21 = arith.truncf %get3A_20 : vector<128x512xf32> to vector<128x512xbf16>
    %dot_general3A_22 = arith.constant dense<0.000000e+00> : vector<256x512xf32>
    %dot_general3A_23 = tpu.matmul %convert_element_type3A_17, %convert_element_type3A_21, %dot_general3A_22 {dimension_numbers = #tpu.dot_dimension_numbers<[1], [0], [0], [1], [0, 0, 1, 1], [], []>, transpose_lhs_hint = false} : vector<256x128xbf16>, vector<128x512xbf16>, vector<256x512xf32> -> vector<256x512xf32>
    %add3A_24 = arith.addf %add3A_13, %dot_general3A_23 : vector<256x512xf32>
    %slice3A_25 = vector.extract_strided_slice %reshape3A {offsets = [0, 2, 0, 0], sizes = [32, 1, 8, 128], strides = [1, 1, 1, 1]} : vector<32x7x8x128xf32> to vector<32x1x8x128xf32>
    %squeeze3A_26 = vector.shape_cast %slice3A_25 : vector<32x1x8x128xf32> to vector<32x8x128xf32>
    %reshape3A_27 = vector.shape_cast %squeeze3A_26 : vector<32x8x128xf32> to vector<256x128xf32>
    %convert_element_type3A_28 = arith.truncf %reshape3A_27 : vector<256x128xf32> to vector<256x128xbf16>
    %get3A_29 = arith.constant 256 : index
    %get3A_30 = arith.constant 0 : index
    %get3A_31 = vector.load %arg3[%get3A_29, %get3A_30] : memref<896x512xf32, #tpu.memory_space<vmem>>, vector<128x512xf32>
    %convert_element_type3A_32 = arith.truncf %get3A_31 : vector<128x512xf32> to vector<128x512xbf16>
    %dot_general3A_33 = arith.constant dense<0.000000e+00> : vector<256x512xf32>
    %dot_general3A_34 = tpu.matmul %convert_element_type3A_28, %convert_element_type3A_32, %dot_general3A_33 {dimension_numbers = #tpu.dot_dimension_numbers<[1], [0], [0], [1], [0, 0, 1, 1], [], []>, transpose_lhs_hint = false} : vector<256x128xbf16>, vector<128x512xbf16>, vector<256x512xf32> -> vector<256x512xf32>
    %add3A_35 = arith.addf %add3A_24, %dot_general3A_34 : vector<256x512xf32>
    %slice3A_36 = vector.extract_strided_slice %reshape3A {offsets = [0, 3, 0, 0], sizes = [32, 1, 8, 128], strides = [1, 1, 1, 1]} : vector<32x7x8x128xf32> to vector<32x1x8x128xf32>
    %squeeze3A_37 = vector.shape_cast %slice3A_36 : vector<32x1x8x128xf32> to vector<32x8x128xf32>
    %reshape3A_38 = vector.shape_cast %squeeze3A_37 : vector<32x8x128xf32> to vector<256x128xf32>
    %convert_element_type3A_39 = arith.truncf %reshape3A_38 : vector<256x128xf32> to vector<256x128xbf16>
    %get3A_40 = arith.constant 384 : index
    %get3A_41 = arith.constant 0 : index
    %get3A_42 = vector.load %arg3[%get3A_40, %get3A_41] : memref<896x512xf32, #tpu.memory_space<vmem>>, vector<128x512xf32>
    %convert_element_type3A_43 = arith.truncf %get3A_42 : vector<128x512xf32> to vector<128x512xbf16>
    %dot_general3A_44 = arith.constant dense<0.000000e+00> : vector<256x512xf32>
    %dot_general3A_45 = tpu.matmul %convert_element_type3A_39, %convert_element_type3A_43, %dot_general3A_44 {dimension_numbers = #tpu.dot_dimension_numbers<[1], [0], [0], [1], [0, 0, 1, 1], [], []>, transpose_lhs_hint = false} : vector<256x128xbf16>, vector<128x512xbf16>, vector<256x512xf32> -> vector<256x512xf32>
    %add3A_46 = arith.addf %add3A_35, %dot_general3A_45 : vector<256x512xf32>
    %slice3A_47 = vector.extract_strided_slice %reshape3A {offsets = [0, 4, 0, 0], sizes = [32, 1, 8, 128], strides = [1, 1, 1, 1]} : vector<32x7x8x128xf32> to vector<32x1x8x128xf32>
    %squeeze3A_48 = vector.shape_cast %slice3A_47 : vector<32x1x8x128xf32> to vector<32x8x128xf32>
    %reshape3A_49 = vector.shape_cast %squeeze3A_48 : vector<32x8x128xf32> to vector<256x128xf32>
    %convert_element_type3A_50 = arith.truncf %reshape3A_49 : vector<256x128xf32> to vector<256x128xbf16>
    %get3A_51 = arith.constant 512 : index
    %get3A_52 = arith.constant 0 : index
    %get3A_53 = vector.load %arg3[%get3A_51, %get3A_52] : memref<896x512xf32, #tpu.memory_space<vmem>>, vector<128x512xf32>
    %convert_element_type3A_54 = arith.truncf %get3A_53 : vector<128x512xf32> to vector<128x512xbf16>
    %dot_general3A_55 = arith.constant dense<0.000000e+00> : vector<256x512xf32>
    %dot_general3A_56 = tpu.matmul %convert_element_type3A_50, %convert_element_type3A_54, %dot_general3A_55 {dimension_numbers = #tpu.dot_dimension_numbers<[1], [0], [0], [1], [0, 0, 1, 1], [], []>, transpose_lhs_hint = false} : vector<256x128xbf16>, vector<128x512xbf16>, vector<256x512xf32> -> vector<256x512xf32>
    %add3A_57 = arith.addf %add3A_46, %dot_general3A_56 : vector<256x512xf32>
    %slice3A_58 = vector.extract_strided_slice %reshape3A {offsets = [0, 5, 0, 0], sizes = [32, 1, 8, 128], strides = [1, 1, 1, 1]} : vector<32x7x8x128xf32> to vector<32x1x8x128xf32>
    %squeeze3A_59 = vector.shape_cast %slice3A_58 : vector<32x1x8x128xf32> to vector<32x8x128xf32>
    %reshape3A_60 = vector.shape_cast %squeeze3A_59 : vector<32x8x128xf32> to vector<256x128xf32>
    %convert_element_type3A_61 = arith.truncf %reshape3A_60 : vector<256x128xf32> to vector<256x128xbf16>
    %get3A_62 = arith.constant 640 : index
    %get3A_63 = arith.constant 0 : index
    %get3A_64 = vector.load %arg3[%get3A_62, %get3A_63] : memref<896x512xf32, #tpu.memory_space<vmem>>, vector<128x512xf32>
    %convert_element_type3A_65 = arith.truncf %get3A_64 : vector<128x512xf32> to vector<128x512xbf16>
    %dot_general3A_66 = arith.constant dense<0.000000e+00> : vector<256x512xf32>
    %dot_general3A_67 = tpu.matmul %convert_element_type3A_61, %convert_element_type3A_65, %dot_general3A_66 {dimension_numbers = #tpu.dot_dimension_numbers<[1], [0], [0], [1], [0, 0, 1, 1], [], []>, transpose_lhs_hint = false} : vector<256x128xbf16>, vector<128x512xbf16>, vector<256x512xf32> -> vector<256x512xf32>
    %add3A_68 = arith.addf %add3A_57, %dot_general3A_67 : vector<256x512xf32>
    %slice3A_69 = vector.extract_strided_slice %reshape3A {offsets = [0, 6, 0, 0], sizes = [32, 1, 8, 128], strides = [1, 1, 1, 1]} : vector<32x7x8x128xf32> to vector<32x1x8x128xf32>
    %squeeze3A_70 = vector.shape_cast %slice3A_69 : vector<32x1x8x128xf32> to vector<32x8x128xf32>
    %reshape3A_71 = vector.shape_cast %squeeze3A_70 : vector<32x8x128xf32> to vector<256x128xf32>
    %convert_element_type3A_72 = arith.truncf %reshape3A_71 : vector<256x128xf32> to vector<256x128xbf16>
    %get3A_73 = arith.constant 768 : index
    %get3A_74 = arith.constant 0 : index
    %get3A_75 = vector.load %arg3[%get3A_73, %get3A_74] : memref<896x512xf32, #tpu.memory_space<vmem>>, vector<128x512xf32>
    %convert_element_type3A_76 = arith.truncf %get3A_75 : vector<128x512xf32> to vector<128x512xbf16>
    %dot_general3A_77 = arith.constant dense<0.000000e+00> : vector<256x512xf32>
    %dot_general3A_78 = tpu.matmul %convert_element_type3A_72, %convert_element_type3A_76, %dot_general3A_77 {dimension_numbers = #tpu.dot_dimension_numbers<[1], [0], [0], [1], [0, 0, 1, 1], [], []>, transpose_lhs_hint = false} : vector<256x128xbf16>, vector<128x512xbf16>, vector<256x512xf32> -> vector<256x512xf32>
    %add3A_79 = arith.addf %add3A_68, %dot_general3A_78 : vector<256x512xf32>
    %max3A = arith.constant 0.000000e+00 : f32
    %max3A_80 = vector.broadcast %max3A : f32 to vector<256x512xf32>
    %max3A_81 = arith.maximumf %add3A_79, %max3A_80 : vector<256x512xf32>
    %convert_element_type3A_82 = arith.truncf %max3A_81 : vector<256x512xf32> to vector<256x512xbf16>
    %get3A_83 = arith.constant 0 : index
    %get3A_84 = arith.constant 0 : index
    %get3A_85 = vector.load %arg5[%get3A_83, %get3A_84] : memref<512x512xf32, #tpu.memory_space<vmem>>, vector<512x512xf32>
    %convert_element_type3A_86 = arith.truncf %get3A_85 : vector<512x512xf32> to vector<512x512xbf16>
    %dot_general3A_87 = arith.constant dense<0.000000e+00> : vector<256x512xf32>
    %dot_general3A_88 = tpu.matmul %convert_element_type3A_82, %convert_element_type3A_86, %dot_general3A_87 {dimension_numbers = #tpu.dot_dimension_numbers<[1], [0], [0], [1], [0, 0, 1, 1], [], []>, transpose_lhs_hint = false} : vector<256x512xbf16>, vector<512x512xbf16>, vector<256x512xf32> -> vector<256x512xf32>
    %get3A_89 = arith.constant 0 : index
    %get3A_90 = arith.constant 0 : index
    %get3A_91 = vector.load %arg6[%get3A_89, %get3A_90] : memref<1x512xf32, #tpu.memory_space<vmem>>, vector<1x512xf32>
    %add3A_92 = vector.broadcast %get3A_91 : vector<1x512xf32> to vector<256x512xf32>
    %add3A_93 = arith.addf %dot_general3A_88, %add3A_92 : vector<256x512xf32>
    %max3A_94 = arith.constant 0.000000e+00 : f32
    %max3A_95 = vector.broadcast %max3A_94 : f32 to vector<256x512xf32>
    %max3A_96 = arith.maximumf %add3A_93, %max3A_95 : vector<256x512xf32>
    %convert_element_type3A_97 = arith.truncf %max3A_96 : vector<256x512xf32> to vector<256x512xbf16>
    %get3A_98 = arith.constant 0 : index
    %get3A_99 = arith.constant 0 : index
    %get3A_100 = vector.load %arg7[%get3A_98, %get3A_99] : memref<512x512xf32, #tpu.memory_space<vmem>>, vector<512x512xf32>
    %convert_element_type3A_101 = arith.truncf %get3A_100 : vector<512x512xf32> to vector<512x512xbf16>
    %dot_general3A_102 = arith.constant dense<0.000000e+00> : vector<256x512xf32>
    %dot_general3A_103 = tpu.matmul %convert_element_type3A_97, %convert_element_type3A_101, %dot_general3A_102 {dimension_numbers = #tpu.dot_dimension_numbers<[1], [0], [0], [1], [0, 0, 1, 1], [], []>, transpose_lhs_hint = false} : vector<256x512xbf16>, vector<512x512xbf16>, vector<256x512xf32> -> vector<256x512xf32>
    %get3A_104 = arith.constant 0 : index
    %get3A_105 = arith.constant 0 : index
    %get3A_106 = vector.load %arg8[%get3A_104, %get3A_105] : memref<1x512xf32, #tpu.memory_space<vmem>>, vector<1x512xf32>
    %add3A_107 = vector.broadcast %get3A_106 : vector<1x512xf32> to vector<256x512xf32>
    %add3A_108 = arith.addf %dot_general3A_103, %add3A_107 : vector<256x512xf32>
    %max3A_109 = arith.constant 0.000000e+00 : f32
    %max3A_110 = vector.broadcast %max3A_109 : f32 to vector<256x512xf32>
    %max3A_111 = arith.maximumf %add3A_108, %max3A_110 : vector<256x512xf32>
    %get3A_112 = arith.constant 0 : index
    %get3A_113 = arith.constant 0 : index
    %get3A_114 = vector.load %arg9[%get3A_112, %get3A_113] : memref<512x1xf32, #tpu.memory_space<vmem>>, vector<512x1xf32>
    %dot_general3A_115 = arith.constant dense<0.000000e+00> : vector<256x1xf32>
    %dot_general3A_116 = tpu.matmul %max3A_111, %get3A_114, %dot_general3A_115 {dimension_numbers = #tpu.dot_dimension_numbers<[1], [0], [0], [1], [0, 0, 1, 1], [], []>, transpose_lhs_hint = false} : vector<256x512xf32>, vector<512x1xf32>, vector<256x1xf32> -> vector<256x1xf32>
    %get3A_117 = arith.constant 0 : index
    %get3A_118 = arith.constant 0 : index
    %get3A_119 = vector.load %arg2[%get3A_117, %get3A_118] : memref<256x128xf32, #tpu.memory_space<vmem>>, vector<256x1xf32>
    %add3A_120 = arith.addf %dot_general3A_116, %get3A_119 : vector<256x1xf32>
    %get3A_121 = arith.constant 0 : index
    %get3A_122 = arith.constant 0 : index
    %get3A_123 = vector.load %arg10[%get3A_121, %get3A_122] : memref<1x1xf32, #tpu.memory_space<vmem>>, vector<1x1xf32>
    %get3A_124 = vector.extract %get3A_123[0, 0] : f32 from vector<1x1xf32>
    %add3A_125 = vector.broadcast %get3A_124 : f32 to vector<256x1xf32>
    %add3A_126 = arith.addf %add3A_120, %add3A_125 : vector<256x1xf32>
    %neg3A = arith.constant 0.000000e+00 : f32
    %neg3A_127 = vector.broadcast %neg3A : f32 to vector<256x1xf32>
    %neg3A_128 = arith.subf %neg3A_127, %add3A_126 : vector<256x1xf32>
    %exp3A = math.exp %neg3A_128 : vector<256x1xf32>
    %add3A_129 = arith.constant 1.000000e+00 : f32
    %add3A_130 = vector.broadcast %add3A_129 : f32 to vector<256x1xf32>
    %add3A_131 = arith.addf %add3A_130, %exp3A : vector<256x1xf32>
    %div3A = arith.constant 1.000000e+00 : f32
    %div3A_132 = vector.broadcast %div3A : f32 to vector<256x1xf32>
    %div3A_133 = arith.divf %div3A_132, %add3A_131 : vector<256x1xf32>
    %swap3A = arith.constant 0 : index
    %swap3A_134 = arith.constant 0 : index
    %swap3A_135 = vector.load %arg11[%swap3A, %swap3A_134] : memref<256x1xf32, #tpu.memory_space<vmem>>, vector<256x1xf32>
    tpu.vector_store %arg11[%swap3A, %swap3A_134], %div3A_133 {strides = array<i32>} : memref<256x1xf32, #tpu.memory_space<vmem>>, vector<256x1xf32>,
    return
  }
  func.func @transform_0(%arg0: i32) -> (i32, i32) {
    %c0_i32 = arith.constant 0 : i32
    %c0_i32_0 = arith.constant 0 : i32
    return %arg0, %c0_i32 : i32, i32
  }
  func.func @transform_1(%arg0: i32) -> (i32, i32) {
    %c0_i32 = arith.constant 0 : i32
    %c0_i32_0 = arith.constant 0 : i32
    return %arg0, %c0_i32 : i32, i32
  }
  func.func @transform_2(%arg0: i32) -> (i32, i32) {
    %c0_i32 = arith.constant 0 : i32
    %c0_i32_0 = arith.constant 0 : i32
    %c0_i32_1 = arith.constant 0 : i32
    return %c0_i32, %c0_i32_0 : i32, i32
  }
  func.func @transform_3(%arg0: i32) -> (i32, i32) {
    %c0_i32 = arith.constant 0 : i32
    %c0_i32_0 = arith.constant 0 : i32
    %c0_i32_1 = arith.constant 0 : i32
    return %c0_i32, %c0_i32_0 : i32, i32
  }
  func.func @transform_4(%arg0: i32) -> (i32, i32) {
    %c0_i32 = arith.constant 0 : i32
    %c0_i32_0 = arith.constant 0 : i32
    %c0_i32_1 = arith.constant 0 : i32
    return %c0_i32, %c0_i32_0 : i32, i32
  }
  func.func @transform_5(%arg0: i32) -> (i32, i32) {
    %c0_i32 = arith.constant 0 : i32
    %c0_i32_0 = arith.constant 0 : i32
    %c0_i32_1 = arith.constant 0 : i32
    return %c0_i32, %c0_i32_0 : i32, i32
  }
  func.func @transform_6(%arg0: i32) -> (i32, i32) {
    %c0_i32 = arith.constant 0 : i32
    %c0_i32_0 = arith.constant 0 : i32
    %c0_i32_1 = arith.constant 0 : i32
    return %c0_i32, %c0_i32_0 : i32, i32
  }
  func.func @transform_7(%arg0: i32) -> (i32, i32) {
    %c0_i32 = arith.constant 0 : i32
    %c0_i32_0 = arith.constant 0 : i32
    %c0_i32_1 = arith.constant 0 : i32
    return %c0_i32, %c0_i32_0 : i32, i32
  }
  func.func @transform_8(%arg0: i32) -> (i32, i32) {
    %c0_i32 = arith.constant 0 : i32
    %c0_i32_0 = arith.constant 0 : i32
    %c0_i32_1 = arith.constant 0 : i32
    return %c0_i32, %c0_i32_0 : i32, i32
  }
  func.func @transform_9(%arg0: i32) -> (i32, i32) {
    %c0_i32 = arith.constant 0 : i32
    %c0_i32_0 = arith.constant 0 : i32
    %c0_i32_1 = arith.constant 0 : i32
    return %c0_i32, %c0_i32_0 : i32, i32
  }
  func.func @transform_10(%arg0: i32) -> (i32, i32) {
    %c0_i32 = arith.constant 0 : i32
    %c0_i32_0 = arith.constant 0 : i32
    return %arg0, %c0_i32 : i32, i32
  }
}

</mosaic_0001>

<sc_bundles>
// kernel: kernel.4.cloned.1.call-start
scs
__scs_entry_jumppad:
0x0: {  	(pc) =	sbr.rel $0x88, $3  }
0x1: {  	(tag) =	ssettag $0x0;
	lr =	simm.s32 $0x1  }
0x2: {  	[smem:$0x3F96] =	sst lr;
	_ =	strace $0xD0000000  }
0x3: {  	_ = 	snop  }
0x4: {  	_ = 	snop  }
0x5: {  	_ = 	snop  }
0x6: {  	_ = 	snop  }
0x7: {  	_ = 	snop  }
__scs_overlays_trampoline_lowered:
0x8: {  	[smem:$0x3FA5] =	sst s0  }
0x9: {  	[smem:$0x3FA6] =	sst s1  }
0xa: {  	[smem:$0x3FA7] =	sst s2  }
0xb: {  	[smem:$0x3FA8] =	sst s3  }
0xc: {  	[smem:$0x3FA9] =	sst s4  }
0xd: {  	[smem:$0x3FAA] =	sst s5  }
0xe: {  	[smem:$0x3FAB] =	sst s6  }
0xf: {  	[smem:$0x3FAC] =	sst s7  }
0x10: {  	[smem:$0x3FAD] =	sst s8  }
0x11: {  	[smem:$0x3FAE] =	sst s9;
	s0 =	simm.s32 @!p0 $0x0  }
0x12: {  	s1 =	sld [smem:$0x3F94];
	s0 =	simm.s32 @p0 $0x1  }
0x13: {  	[smem:$0x3FAF] =	sst s0;
	s0 =	simm.s32 @!p1 $0x0  }
0x14: {  	s2 =	sld [smem:$0x3F93];
	s0 =	simm.s32 @p1 $0x1  }
0x15: {  	[smem:$0x3FB0] =	sst s0;
	s0 =	simm.s32 @!p2 $0x0  }
0x16: {  	s3 =	sld [smem:$0x3FDB];
	s0 =	simm.s32 @p2 $0x1  }
0x17: {  	s4 =	simm.s32 $0x1BF5;
	[smem:$0x3FB2] =	sst s0  }
0x18: {  	s0 =	sld [smem:$0x3F95];
	_ =	swait.ge [sflag:s4], $0x0  }
0x19: {  	s7 =	sld [smem:$0x3F96]  }
0x1a: {  	s8 =	sadd.s32 $0xFFFFE003, lr  }
0x1b: {  	s9 =	sadd.s32 $0xFFFFFEF7, lr;
	s5 =	simm.s32 $0xFFFFFFFF;
	p2 =	slt.u32 s8, $0xFFFFF086  }
0x1c: {  	p1 =	slt.u32 s9, $0xF7A;
	s5 =	simm.s32 @!p2 $0x0  }
0x1d: {  	s5 =	simm.s32 @p1 $0x1;
	p0 =	seq.s32 s7, s2  }
0x1e: {  	s7 =	smul.u32 @!p0 $0xF7A, s2;
	p2 =	seq.s32 @!p0 s5, $0x0  }
0x1f: {  	s9 =	smul.u32 $0xF7A, s1;
	s8 =	simm.s32 @!p0 $0x1BF5;
	p2 =	por !p2, p0  }
0x20: {  	[sflag:s8] =	ssyncset.s32 @!p0 $0xFFFFF086;
	s6 =	sadd.s32 @!p0 s3, s7;
	s7 =	simm.s32 @!p0 $0x108  }
0x21: {  	s3 =	sadd.s32 s3, s9;
	s6 =	sadd.s32 @!p0 $0x88, s6;
	s7 =	simm.s32 @p2 $0x1082  }
0x22: {  	[simem:s7], [sflag:s8] =	dma.local @!p0 [hbm:s6], $0xF7A  }
0x23: {  	s9 =	sor.u32 $0xD0000000, s2;
	s6 =	simm.s32 $0x108;
	_ =	swait.ge @!p0 [sflag:s8], $0x0  }
0x24: {  	s3 =	sadd.s32 $0x88, s3;
	s6 =	simm.s32 @!p1 $0x1082;
	[sflag:s4] =	ssyncset.s32 $0xFFFFF086  }
0x25: {  	[simem:s6], [sflag:s4] =	dma.local [hbm:s3], $0xF7A  }
0x26: {  	[smem:$0x3F96] =	sst s1;
	(tag) =	ssettag s2;
	_ =	strace s9  }
0x27: {  	s1 =	sld [smem:$0x3FA6]  }
0x28: {  	s2 =	sld [smem:$0x3FA7]  }
0x29: {  	s4 =	sld [smem:$0x3FA9]  }
0x2a: {  	p0 =	seq.s32 s5, $0x0;
	s5 =	sld [smem:$0x3FAA]  }
0x2b: {  	s6 =	sld [smem:$0x3FAB]  }
0x2c: {  	s7 =	sld [smem:$0x3FAC]  }
0x2d: {  	s3 =	simm.s32 $0x108;
	s8 =	sld [smem:$0x3FAD]  }
0x2e: {  	s3 =	simm.s32 @!p0 $0x1082;
	s9 =	sld [smem:$0x3FAE]  }
0x2f: {  	lr =	sadd.s32 s0, s3;
	s0 =	sld [smem:$0x3FA5]  }
0x30: {  	s3 =	sld [smem:$0x3FA8]  }
0x31: {  	[smem:$0x3FB1] =	sst s10  }
0x32: {  	s10 =	sld [smem:$0x3FAF];
	_ =	sdelay $0x3  }
0x33: {  	p0 =	seq.s32 s10, $0x1;
	s10 =	sld [smem:$0x3FB1];
	_ =	sdelay $0x3  }
0x34: {  	[smem:$0x3FB1] =	sst s10  }
0x35: {  	s10 =	sld [smem:$0x3FB0];
	_ =	sdelay $0x3  }
0x36: {  	p1 =	seq.s32 s10, $0x1;
	s10 =	sld [smem:$0x3FB1];
	_ =	sdelay $0x3  }
0x37: {  	[smem:$0x3FB1] =	sst s10  }
0x38: {  	s10 =	sld [smem:$0x3FB2]  }
0x39: {  	_ = 	snop;
	(pc) =	sbr.ind lr, $3  }
0x3a: {  	_ = 	snop  }
0x3b: {  	_ = 	snop  }
0x3c: {  	p2 =	seq.s32 s10, $0x1;
	s10 =	sld [smem:$0x3FB1]  }
0x3d: {  	_ =	shalt  }
0x3e: {  	_ =	shalt  }
0x3f: {  	_ =	shalt  }
0x40: {  	_ =	shalt  }
0x41: {  	_ =	shalt  }
0x42: {  	_ =	shalt  }
0x43: {  	_ =	shalt  }
0x44: {  	_ =	shalt  }
0x45: {  	_ =	shalt  }
0x46: {  	_ =	shalt  }
0x47: {  	_ =	shalt  }
0x48: {  	_ =	shalt  }
0x49: {  	_ =	shalt  }
0x4a: {  	_ =	shalt  }
0x4b: {  	_ =	shalt  }
0x4c: {  	_ =	shalt  }
0x4d: {  	_ =	shalt  }
0x4e: {  	_ =	shalt  }
0x4f: {  	_ =	shalt  }
0x50: {  	_ =	shalt  }
0x51: {  	_ =	shalt  }
0x52: {  	_ =	shalt  }
0x53: {  	_ =	shalt  }
0x54: {  	_ =	shalt  }
0x55: {  	_ =	shalt  }
0x56: {  	_ =	shalt  }
0x57: {  	_ =	shalt  }
0x58: {  	_ =	shalt  }
0x59: {  	_ =	shalt  }
0x5a: {  	_ =	shalt  }
0x5b: {  	_ =	shalt  }
0x5c: {  	_ =	shalt  }
0x5d: {  	_ =	shalt  }
0x5e: {  	_ =	shalt  }
0x5f: {  	_ =	shalt  }
0x60: {  	_ =	shalt  }
0x61: {  	_ =	shalt  }
0x62: {  	_ =	shalt  }
0x63: {  	_ =	shalt  }
0x64: {  	_ =	shalt  }
0x65: {  	_ =	shalt  }
0x66: {  	_ =	shalt  }
0x67: {  	_ =	shalt  }
0x68: {  	_ =	shalt  }
0x69: {  	_ =	shalt  }
0x6a: {  	_ =	shalt  }
0x6b: {  	_ =	shalt  }
0x6c: {  	_ =	shalt  }
0x6d: {  	_ =	shalt  }
0x6e: {  	_ =	shalt  }
0x6f: {  	_ =	shalt  }
0x70: {  	_ =	shalt  }
0x71: {  	_ =	shalt  }
0x72: {  	_ =	shalt  }
0x73: {  	_ =	shalt  }
0x74: {  	_ =	shalt  }
0x75: {  	_ =	shalt  }
0x76: {  	_ =	shalt  }
0x77: {  	_ =	shalt  }
0x78: {  	_ =	shalt  }
0x79: {  	_ =	shalt  }
0x7a: {  	_ =	shalt  }
0x7b: {  	_ =	shalt  }
0x7c: {  	_ =	shalt  }
0x7d: {  	_ =	shalt  }
0x7e: {  	_ =	shalt  }
0x7f: {  	_ =	shalt  }
0x80: {  	_ =	shalt  }
0x81: {  	_ =	shalt  }
0x82: {  	_ =	shalt  }
0x83: {  	_ =	shalt  }
0x84: {  	_ =	shalt  }
0x85: {  	_ =	shalt  }
0x86: {  	_ =	shalt  }
0x87: {  	_ =	shalt  }
.Lfunc_end0:
.L_simem_size_0:
called_computation_lowered:
.L_overlay_start_0:
0x88: {  	s2 =	sld [smem:$0x3FD9]  }
0x89: {  	s3 =	sld [smem:$0x3FFE];
	_ =	sdelay $0x1  }
0x8a: {  	s1 =	srdreg.scid  }
0x8b: {  	s0 =	sand.u32 $0x1, s1  }
0x8c: {  	s16 =	sshll.u32 s0, $0xA;
	s2 =	sadd.s32 s3, s2  }
0x8d: {  	s2 =	sadd.s32 s2, s16  }
0x8e: {  	[smem:$0x3FBD] =	sst s2  }
0x8f: {  	_ = 	snop  }
0x90: {  	(tm) =	ssettm $0x1  }
0x91: {  	s17 =	sld [smem:$0x3FFB];
	_ =	sdelay $0x3  }
0x92: {  	_ =	strace s17  }
0x93: {  	s2 =	sld [smem:$0x3FFC];
	_ =	sdelay $0x3  }
0x94: {  	_ =	strace s2  }
0x95: {  	s2 =	sld [smem:$0x3FFD];
	_ =	sdelay $0x3  }
0x96: {  	_ =	strace s2  }
0x97: {  	_ =	strace $0x8FFFFFFF  }
0x98: {  	s18 =	sld [smem:$0x3FDB];
	_ =	sdelay $0x1  }
0x99: {  	s19 =	simm.s32 $_scs_section_size  }
0x9a: {  	s4 =	simm.s32 $_size__tile_overlayer_lowered;
	s5 =	simm.s32 $_tile_overlayer_lowered  }
0x9b: {  	s22 =	simm.s32 $0x1BFF;
	s21 =	sshll.u32 s5, $0x1;
	s2 =	sadd.s32 s19, s18  }
0x9c: {  	s6 =	simm.s32 $0x0;
	s20 =	sshll.u32 s4, $0x1;
	s4 =	sadd.s32 s21, s2  }
0x9d: {  	[timem:s6], [sflag:s22] =	dma.local [hbm:s4], s20  }
0x9e: {  	_ =	swait.ge [sflag:s22], s20  }
0x9f: {  	s3 =	ssub.s32 $0x0, s20;
	[sflag:s22] =	ssyncset.done $0x0  }
0xa0: {  	[sflag:s22] =	ssyncadd.s32 s3;
	_ =	sdelay $0x1  }
0xa1: {  	s23 =	simm.s32 $0x1B8B  }
0xa2: {  	_ =	swait.ge [sflag:s23], $0x1  }
0xa3: {  	[sflag:s23] =	ssyncset.done $0x0  }
0xa4: {  	s25 =	simm.s32 $0x1B8E;
	s24 =	sld [smem:$0x3FFE];
	[sflag:s23] =	ssyncadd.s32 $0xFFFFFFFF  }
0xa5: {  	s26 =	simm.s32 $execute0_lowered;
	[smem:$0x3FD2] =	sst s25  }
0xa6: {  	s4 =	sshll.u32 s26, $0x1;
	_ =	strace $0x80000046;
	[dreg:$0x1] =	wrdreg $0xFFFFFFFF  }
0xa7: {  	s28 =	simm.s32 $_size_execute0_lowered;
	s2 =	sadd.s32 s2, s4;
	[dreg:$0x0] =	wrdreg $0x0  }
0xa8: {  	s4 =	sshll.u32 s28, $0x1;
	[dreg:$0x2] =	wrdreg s2  }
0xa9: {  	[dreg:$0x3] =	wrdreg s4  }
0xaa: {  	[dreg:$0x4] =	wrdreg $0xC0  }
0xab: {  	_ =	task [dreg:s6], $0x5FFFF  }
0xac: {  	[dreg:$0x1] =	wrdreg $0xFFFFFFFF  }
0xad: {  	[dreg:$0x0] =	wrdreg $0x60  }
0xae: {  	[dreg:$0x2] =	wrdreg s24  }
0xaf: {  	[dreg:$0x3] =	wrdreg $0x9  }
0xb0: {  	_ =	task.clear_ibuf [dreg:s6], $0x4FFFF;
	_ =	strace $0x90000046  }
0xb1: {  	s29 =	simm.s32 $0x9;
	_ =	strace $0x80000048  }
0xb2: {  	_ =	swait.ge [sflag:s29], $0x1  }
0xb3: {  	[sflag:s29] =	ssyncadd.s32 $0xFFFFFFFF  }
0xb4: {  	_ =	strace $0x90000048  }
0xb5: {  	_ =	sfence  }
0xb6: {  	s30 =	sld [smem:$0x0];
	_ =	sdelay $0x2  }
0xb7: {  	s31 =	sshll.u32 s1, $0xD;
	s1 =	sshrl.u32 s1, $0x2  }
0xb8: {  	s3 =	sand.u32 $0x4000, s31;
	s1 =	sadd.s32 s1, s30  }
0xb9: {  	s0 =	sor.u32 s3, s0;
	s1 =	sshll.u32 s1, $0x11  }
0xba: {  	s0 =	sor.u32 s1, s0  }
0xbb: {  	s0 =	sadd.s32 $0x8F2B, s0  }
0xbc: {  	[sflag:s0] =	ssyncadd.remote.s32 $0x1  }
0xbd: {  	_ =	sfence.sel $0xFFFF  }
0xbe: {  	[dreg:$0x0] =	wrdreg $0xFFFFFFFF;
	(pc) =	sbr.abs _section_cstart, $3  }
0xbf: {  	[dreg:$0x1] =	wrdreg $0xFFFFFFFF  }
0xc0: {  	_ =	task.clear_ibuf [dreg:s6], $0x2FFFF;
	_ =	strace $0x9FFFFFFF  }
0xc1: {  	(tm) =	ssettm $0x7FFFFFFF  }
tec
execute0_lowered:
.L_overlay_start_1:
0x0: {  	(tag) =	ssettag $0x1  }
0x1: {  	v0 =	vlaneseq.u32  }
0x2: {  	v5 =	vimm.s32 $0xA83;
	vm14 =	vcmask $0x300;
	vm13 =	vcmask $0x704  }
0x3: {  	v6 =	vimm.s32 $0xA8B;
	vm12 =	vcmask $0xB08;
	vm11 =	vcmask $0xF0C  }
0x4: {  	vm10 =	vcmask $0x1310;
	vm9 =	vcmask $0x1714;
	vm8 =	vcmask $0x1B18  }
0x5: {  	vm7 =	vcmask $0x1F1C;
	vm6 =	vcmask $0x2320;
	vm5 =	vcmask $0x2724  }
0x6: {  	vm4 =	vcmask $0x2B28;
	vm3 =	vcmask $0x2F2C;
	vm2 =	vcmask $0x3330  }
0x7: {  	vm1 =	vcmask $0x3734;
	vm0 =	vcmask $0x3B38;
	v8 =	vimm.s32 $0xA93  }
0x8: {  	v10 =	vimm.s32 $0xA9B;
	v11 =	vimm.s32 $0xAA3;
	v14 =	vimm.s32 $0xAAB  }
0x9: {  	v16 =	vimm.s32 $0xAB3;
	v17 =	vimm.s32 $0xA87;
	v18 =	vimm.s32 $0x1918  }
0xa: {  	v21 =	vimm.s32 $0xA97;
	v22 =	vimm.s32 $0xA9F;
	v23 =	vimm.s32 $0xAA7  }
0xb: {  	v24 =	vimm.s32 $0xAAF;
	v25 =	vimm.s32 $0xAB7;
	v1 =	vshrl.u32 v0, $0x2  }
0xc: {  	v4 =	vand.u32 $0x3, v0;
	v5 =	vsel vm14, $0x0, v5;
	v6 =	vsel vm14, $0x8, v6  }
0xd: {  	v9 =	vsel vm14, $0x10, v8;
	v10 =	vsel vm14, $0x18, v10;
	v11 =	vsel vm14, $0x20, v11  }
0xe: {  	v15 =	vsel vm14, $0x28, v14;
	v16 =	vsel vm14, $0x30, v16;
	v17 =	vsel vm14, $0x4, v17  }
0xf: {  	v21 =	vsel vm14, $0x14, v21;
	v22 =	vsel vm14, $0x1C, v22;
	v23 =	vsel vm14, $0x24, v23  }
0x10: {  	v24 =	vsel vm14, $0x2C, v24;
	v25 =	vsel vm14, $0x34, v25;
	v26 =	vand.u32 $0x7, v0  }
0x11: {  	v2 =	vmul.u32 $0x20, v1;
	v5 =	vsel vm13, $0x380, v5;
	v6 =	vsel vm13, $0x388, v6  }
0x12: {  	v8 =	vor.u32 $0x8, v4;
	v9 =	vsel vm13, $0x390, v9;
	v10 =	vsel vm13, $0x398, v10  }
0x13: {  	v11 =	vsel vm13, $0x3A0, v11;
	v14 =	vor.u32 $0x14, v4;
	v15 =	vsel vm13, $0x3A8, v15  }
0x14: {  	v16 =	vsel vm13, $0x3B0, v16;
	v17 =	vsel vm13, $0x384, v17;
	v21 =	vsel vm13, $0x394, v21  }
0x15: {  	v22 =	vsel vm13, $0x39C, v22;
	v23 =	vsel vm13, $0x3A4, v23;
	v24 =	vsel vm13, $0x3AC, v24  }
0x16: {  	v25 =	vsel vm13, $0x3B4, v25;
	v5 =	vsel vm12, $0x700, v5;
	v6 =	vsel vm12, $0x708, v6  }
0x17: {  	v9 =	vsel vm12, $0x710, v9;
	v10 =	vsel vm12, $0x718, v10;
	v11 =	vsel vm12, $0x720, v11  }
0x18: {  	v15 =	vsel vm12, $0x728, v15;
	v16 =	vsel vm12, $0x730, v16;
	v17 =	vsel vm12, $0x704, v17  }
0x19: {  	v21 =	vsel vm12, $0x714, v21;
	v22 =	vsel vm12, $0x71C, v22;
	v23 =	vsel vm12, $0x724, v23  }
0x1a: {  	v24 =	vsel vm12, $0x72C, v24;
	v25 =	vsel vm12, $0x734, v25;
	v3 =	vor.u32 $0x80, v2  }
0x1b: {  	v5 =	vsel vm11, $0xA80, v5;
	v6 =	vsel vm11, $0xA88, v6;
	v9 =	vsel vm11, $0xA90, v9  }
0x1c: {  	v10 =	vsel vm11, $0xA98, v10;
	v11 =	vsel vm11, $0xAA0, v11;
	v15 =	vsel vm11, $0xAA8, v15  }
0x1d: {  	v16 =	vsel vm11, $0xAB0, v16;
	v17 =	vsel vm11, $0xA84, v17;
	v21 =	vsel vm11, $0xA94, v21  }
0x1e: {  	v22 =	vsel vm11, $0xA9C, v22;
	v23 =	vsel vm11, $0xAA4, v23;
	v24 =	vsel vm11, $0xAAC, v24  }
0x1f: {  	v25 =	vsel vm11, $0xAB4, v25;
	v5 =	vsel vm10, $0x1, v5;
	v6 =	vsel vm10, $0x9, v6  }
0x20: {  	v9 =	vsel vm10, $0x11, v9;
	v10 =	vsel vm10, $0x19, v10;
	v11 =	vsel vm10, $0x21, v11  }
0x21: {  	v15 =	vsel vm10, $0x29, v15;
	v16 =	vsel vm10, $0x31, v16;
	v17 =	vsel vm10, $0x5, v17  }
0x22: {  	v21 =	vsel vm10, $0x15, v21;
	v22 =	vsel vm10, $0x1D, v22;
	v23 =	vsel vm10, $0x25, v23  }
0x23: {  	v24 =	vsel vm10, $0x2D, v24;
	v25 =	vsel vm10, $0x35, v25;
	v5 =	vsel vm9, $0x381, v5  }
0x24: {  	v6 =	vsel vm9, $0x389, v6;
	v9 =	vsel vm9, $0x391, v9;
	v10 =	vsel vm9, $0x399, v10  }
0x25: {  	v11 =	vsel vm9, $0x3A1, v11;
	v15 =	vsel vm9, $0x3A9, v15;
	v16 =	vsel vm9, $0x3B1, v16  }
0x26: {  	v17 =	vsel vm9, $0x385, v17;
	v21 =	vsel vm9, $0x395, v21;
	v22 =	vsel vm9, $0x39D, v22  }
0x27: {  	v23 =	vsel vm9, $0x3A5, v23;
	v24 =	vsel vm9, $0x3AD, v24;
	v25 =	vsel vm9, $0x3B5, v25  }
0x28: {  	v5 =	vsel vm8, $0x701, v5;
	v6 =	vsel vm8, $0x709, v6;
	v9 =	vsel vm8, $0x711, v9  }
0x29: {  	v10 =	vsel vm8, $0x719, v10;
	v11 =	vsel vm8, $0x721, v11;
	v15 =	vsel vm8, $0x729, v15  }
0x2a: {  	v16 =	vsel vm8, $0x731, v16;
	v17 =	vsel vm8, $0x705, v17;
	v21 =	vsel vm8, $0x715, v21  }
0x2b: {  	v22 =	vsel vm8, $0x71D, v22;
	v23 =	vsel vm8, $0x725, v23;
	v24 =	vsel vm8, $0x72D, v24  }
0x2c: {  	v25 =	vsel vm8, $0x735, v25;
	v5 =	vsel vm7, $0xA81, v5;
	v6 =	vsel vm7, $0xA89, v6  }
0x2d: {  	v9 =	vsel vm7, $0xA91, v9;
	v10 =	vsel vm7, $0xA99, v10;
	v11 =	vsel vm7, $0xAA1, v11  }
0x2e: {  	v15 =	vsel vm7, $0xAA9, v15;
	v16 =	vsel vm7, $0xAB1, v16;
	v17 =	vsel vm7, $0xA85, v17  }
0x2f: {  	v21 =	vsel vm7, $0xA95, v21;
	v22 =	vsel vm7, $0xA9D, v22;
	v23 =	vsel vm7, $0xAA5, v23  }
0x30: {  	v24 =	vsel vm7, $0xAAD, v24;
	v25 =	vsel vm7, $0xAB5, v25;
	v5 =	vsel vm6, $0x2, v5  }
0x31: {  	v6 =	vsel vm6, $0xA, v6;
	v9 =	vsel vm6, $0x12, v9;
	v10 =	vsel vm6, $0x1A, v10  }
0x32: {  	v11 =	vsel vm6, $0x22, v11;
	v15 =	vsel vm6, $0x2A, v15;
	v16 =	vsel vm6, $0x32, v16  }
0x33: {  	v17 =	vsel vm6, $0x6, v17;
	v21 =	vsel vm6, $0x16, v21;
	v22 =	vsel vm6, $0x1E, v22  }
0x34: {  	v23 =	vsel vm6, $0x26, v23;
	v24 =	vsel vm6, $0x2E, v24;
	v25 =	vsel vm6, $0x36, v25  }
0x35: {  	v5 =	vsel vm5, $0x382, v5;
	v6 =	vsel vm5, $0x38A, v6;
	v9 =	vsel vm5, $0x392, v9  }
0x36: {  	v10 =	vsel vm5, $0x39A, v10;
	v11 =	vsel vm5, $0x3A2, v11;
	v15 =	vsel vm5, $0x3AA, v15  }
0x37: {  	v16 =	vsel vm5, $0x3B2, v16;
	v17 =	vsel vm5, $0x386, v17;
	v21 =	vsel vm5, $0x396, v21  }
0x38: {  	v22 =	vsel vm5, $0x39E, v22;
	v23 =	vsel vm5, $0x3A6, v23;
	v24 =	vsel vm5, $0x3AE, v24  }
0x39: {  	v25 =	vsel vm5, $0x3B6, v25;
	v5 =	vsel vm4, $0x702, v5;
	v6 =	vsel vm4, $0x70A, v6  }
0x3a: {  	v9 =	vsel vm4, $0x712, v9;
	v10 =	vsel vm4, $0x71A, v10;
	v11 =	vsel vm4, $0x722, v11  }
0x3b: {  	v15 =	vsel vm4, $0x72A, v15;
	v16 =	vsel vm4, $0x732, v16;
	v17 =	vsel vm4, $0x706, v17  }
0x3c: {  	v21 =	vsel vm4, $0x716, v21;
	v22 =	vsel vm4, $0x71E, v22;
	v23 =	vsel vm4, $0x726, v23  }
0x3d: {  	v24 =	vsel vm4, $0x72E, v24;
	v25 =	vsel vm4, $0x736, v25;
	v5 =	vsel vm3, $0xA82, v5  }
0x3e: {  	v6 =	vsel vm3, $0xA8A, v6;
	v9 =	vsel vm3, $0xA92, v9;
	v10 =	vsel vm3, $0xA9A, v10  }
0x3f: {  	v11 =	vsel vm3, $0xAA2, v11;
	v15 =	vsel vm3, $0xAAA, v15;
	v16 =	vsel vm3, $0xAB2, v16  }
0x40: {  	v17 =	vsel vm3, $0xA86, v17;
	v21 =	vsel vm3, $0xA96, v21;
	v22 =	vsel vm3, $0xA9E, v22  }
0x41: {  	v23 =	vsel vm3, $0xAA6, v23;
	v24 =	vsel vm3, $0xAAE, v24;
	v25 =	vsel vm3, $0xAB6, v25  }
0x42: {  	v5 =	vsel vm2, $0x3, v5;
	v6 =	vsel vm2, $0xB, v6;
	v9 =	vsel vm2, $0x13, v9  }
0x43: {  	v12 =	vsel vm2, $0x1B, v10;
	v10 =	vor.u32 $0xC, v4;
	v13 =	vsel vm2, $0x23, v11  }
0x44: {  	v15 =	vsel vm2, $0x2B, v15;
	v16 =	vsel vm2, $0x33, v16;
	v20 =	vsel vm2, $0x7, v17  }
0x45: {  	v21 =	vsel vm2, $0x17, v21;
	v22 =	vsel vm2, $0x1F, v22;
	v19 =	vsel vm1, $0x3B3, v16  }
0x46: {  	v17 =	vsel vm0, $0x733, v19;
	v19 =	vsel vm1, $0x387, v20;
	v20 =	vimm.s32 $0xA8F  }
0x47: {  	v23 =	vsel vm2, $0x27, v23;
	v24 =	vsel vm2, $0x2F, v24;
	v20 =	vsel vm14, $0xC, v20  }
0x48: {  	v25 =	vsel vm2, $0x37, v25;
	v5 =	vsel vm1, $0x383, v5;
	v20 =	vsel vm13, $0x38C, v20  }
0x49: {  	s5 =	rddreg [dreg:$0x0];
	s2 =	simm.s32 $0x0;
	s3 =	srdreg.scid;
	v7 =	vsel vm1, $0x38B, v6;
	v6 =	vor.u32 $0x4, v4;
	v20 =	vsel vm12, $0x70C, v20  }
0x4a: {  	s1 =	stileid.u32;
	s13 =	simm.s32 $0x80;
	s14 =	simm.s32 $0x3;
	v9 =	vsel vm1, $0x393, v9;
	v12 =	vsel vm1, $0x39B, v12;
	v20 =	vsel vm11, $0xA8C, v20  }
0x4b: {  	s15 =	simm.s32 $0x1000;
	s16 =	simm.s32 $0xE00;
	s17 =	simm.s32 $0x1E00;
	v13 =	vsel vm1, $0x3A3, v13;
	v15 =	vsel vm1, $0x3AB, v15;
	v20 =	vsel vm10, $0xD, v20  }
0x4c: {  	s18 =	simm.s32 $0x1DE00;
	s19 =	simm.s32 $0x2;
	s20 =	simm.s32 $0x1EC00;
	v16 =	vunpack.c.0.s8.s32 v18;
	v18 =	vor.u32 $0x4, v1;
	v20 =	vsel vm9, $0x38D, v20  }
0x4d: {  	s21 =	simm.s32 $0x1;
	s22 =	simm.s32 $0x8E00;
	s23 =	simm.s32 $0xFE00;
	v21 =	vsel vm1, $0x397, v21;
	v22 =	vsel vm1, $0x39F, v22;
	v20 =	vsel vm8, $0x70D, v20  }
0x4e: {  	s24 =	simm.s32 $0x16E00;
	s4 =	sand.u32 $0x1, s3;
	s31 =	sshll.u32 s1, $0x1;
	v23 =	vsel vm1, $0x3A7, v23;
	v24 =	vsel vm1, $0x3AF, v24;
	v20 =	vsel vm7, $0xA8D, v20  }
0x4f: {  	[smem:$0x7FF] =	sst s2;
	s3 =	sadd.s32 $0x188200, s5;
	s6 =	sor.u32 s4, s31;
	v25 =	vsel vm1, $0x3B7, v25;
	v5 =	vsel vm0, $0x703, v5;
	v20 =	vsel vm6, $0xE, v20  }
0x50: {  	s25 =	simm.s32 $0x0;
	_ =	strace $0x80000047;
	s7 =	smul.u32 $0x3800, s6;
	v7 =	vsel vm0, $0x70B, v7;
	v9 =	vsel vm0, $0x713, v9;
	v20 =	vsel vm5, $0x38E, v20  }
0x51: {  	s8 =	ssub.s32 $0x2, s4;
	s4 =	sadd.s32 $0x11800, s5;
	s6 =	sshll.u32 s6, $0xB;
	v11 =	vsel vm0, $0x71B, v12;
	v12 =	vor.u32 $0x10, v4;
	v20 =	vsel vm4, $0x70E, v20  }
0x52: {  	s9 =	sshrl.u32 s8, $0x1;
	s11 =	sadd.s32 s6, s5;
	s10 =	sadd.s32 s7, s5;
	v13 =	vsel vm0, $0x723, v13;
	v15 =	vsel vm0, $0x72B, v15;
	v20 =	vsel vm3, $0xA8E, v20  }
0x53: {  	s12 =	ssub.s32 s8, s9;
	s5 =	sadd.s32 $0x1800, s11;
	s6 =	sadd.s32 $0x24A00, s10;
	v21 =	vsel vm0, $0x717, v21;
	v22 =	vsel vm0, $0x71F, v22;
	v20 =	vsel vm2, $0xF, v20  }
0x54: {  	s7 =	sadd.s32 $0x24A04, s10;
	s8 =	sadd.s32 $0x24A08, s10;
	s9 =	sadd.s32 $0x24A0C, s10;
	v23 =	vsel vm0, $0x727, v23;
	v24 =	vsel vm0, $0x72F, v24;
	v20 =	vsel vm1, $0x38F, v20  }
0x55: {  	s10 =	sadd.s32 $0x14A00, s11;
	s11 =	smax.u32 s12, $0x1;
	s12 =	simm.s32 $0x20;
	v25 =	vsel vm0, $0x737, v25;
	v19 =	vsel vm0, $0x707, v19;
	v20 =	vsel vm0, $0x70F, v20  }
.LBB2_1:
0x56: {  	v27 =	vmov s2  }
0x57: {  	v27 =	vshll.u32 v27, $0x5  }
0x58: {  	v28 =	vor.u32 v2, v27  }
0x59: {  	v29 =	vor.u32 v4, v28  }
0x5a: {  	[tilespmem:s2], [sflag:$0x3] =	stream.strided.gather [hbm4b:s5+s12], $0x1000, s13, s12, $0x38;
	[tilespmem:$0x1F000] =	vst v63  }
0x5b: {  	_ =	swait.ge [sflag:s14], $0x1000  }
0x5c: {  	v30 =	vadd.s32 s2, v5;
	[sflag:s14] =	ssyncset.done $0x0  }
0x5d: {  	v30 =	vand.u32 $0x1FF8, v30;
	[sflag:s14] =	ssyncadd.s32 $0xFFFFF000  }
0x5e: {  	v30 =	vor.u32 v1, v30;
	v29 =	vld.idx.msk [tilespmem:v29+s2+$0x0], $0xffff  }
0x5f: {  	v31 =	vor.u32 v6, v28;
	_ =	sdelay $0x2  }
0x60: {  	v32 =	vadd.s32 s2, v7  }
0x61: {  	[tilespmem:v30+s15+$0x0] =	vst.idx.msk $0xffff, v29;
	v29 =	vand.u32 $0x1FF8, v32  }
0x62: {  	v30 =	vld.idx.msk [tilespmem:v31+s2+$0x0], $0xffff;
	v29 =	vor.u32 v1, v29  }
0x63: {  	v31 =	vor.u32 v8, v28;
	_ =	sdelay $0x2  }
0x64: {  	v60 =	vadd.s32 s2, v9  }
0x65: {  	[tilespmem:v29+s15+$0x0] =	vst.idx.msk $0xffff, v30;
	v29 =	vand.u32 $0x1FF8, v60  }
0x66: {  	v30 =	vld.idx.msk [tilespmem:v31+s2+$0x0], $0xffff;
	v29 =	vor.u32 v1, v29  }
0x67: {  	v31 =	vor.u32 v10, v28;
	_ =	sdelay $0x2  }
0x68: {  	v61 =	vadd.s32 s2, v11  }
0x69: {  	[tilespmem:v29+s15+$0x0] =	vst.idx.msk $0xffff, v30;
	v29 =	vand.u32 $0x1FF8, v61  }
0x6a: {  	v30 =	vld.idx.msk [tilespmem:v31+s2+$0x0], $0xffff;
	v29 =	vor.u32 v1, v29  }
0x6b: {  	v31 =	vor.u32 v12, v28;
	_ =	sdelay $0x2  }
0x6c: {  	v62 =	vadd.s32 s2, v13  }
0x6d: {  	[tilespmem:v29+s15+$0x0] =	vst.idx.msk $0xffff, v30;
	v29 =	vand.u32 $0x1FF8, v62  }
0x6e: {  	v30 =	vld.idx.msk [tilespmem:v31+s2+$0x0], $0xffff;
	v29 =	vor.u32 v1, v29  }
0x6f: {  	v31 =	vor.u32 v14, v28;
	_ =	sdelay $0x2  }
0x70: {  	v63 =	vadd.s32 s2, v15  }
0x71: {  	[tilespmem:v29+s15+$0x0] =	vst.idx.msk $0xffff, v30;
	v29 =	vand.u32 $0x1FF8, v63  }
0x72: {  	v30 =	vld.idx.msk [tilespmem:v31+s2+$0x0], $0xffff;
	v29 =	vor.u32 v1, v29  }
0x73: {  	v28 =	vor.u32 v16, v28;
	_ =	sdelay $0x2  }
0x74: {  	v31 =	vadd.s32 s2, v17  }
0x75: {  	[tilespmem:v29+s15+$0x0] =	vst.idx.msk $0xffff, v30;
	v29 =	vand.u32 $0x1FF8, v31  }
0x76: {  	v27 =	vor.u32 v3, v27;
	v28 =	vld.idx.msk [tilespmem:v28+s2+$0x0], $0xffff;
	v29 =	vor.u32 v1, v29  }
0x77: {  	v30 =	vor.u32 v4, v27;
	_ =	sdelay $0x2  }
0x78: {  	v31 =	vadd.s32 s2, v19  }
0x79: {  	[tilespmem:v29+s15+$0x0] =	vst.idx.msk $0xffff, v28;
	v28 =	vand.u32 $0x1FF8, v31  }
0x7a: {  	v29 =	vld.idx.msk [tilespmem:v30+s2+$0x0], $0xffff;
	v28 =	vor.u32 v18, v28  }
0x7b: {  	v30 =	vor.u32 v6, v27;
	_ =	sdelay $0x2  }
0x7c: {  	v31 =	vadd.s32 s2, v20  }
0x7d: {  	[tilespmem:v28+s15+$0x0] =	vst.idx.msk $0xffff, v29;
	v28 =	vand.u32 $0x1FF8, v31  }
0x7e: {  	v29 =	vld.idx.msk [tilespmem:v30+s2+$0x0], $0xffff;
	v28 =	vor.u32 v18, v28  }
0x7f: {  	v30 =	vor.u32 v8, v27;
	_ =	sdelay $0x2  }
0x80: {  	v31 =	vadd.s32 s2, v21  }
0x81: {  	[tilespmem:v28+s15+$0x0] =	vst.idx.msk $0xffff, v29;
	v28 =	vand.u32 $0x1FF8, v31  }
0x82: {  	v29 =	vld.idx.msk [tilespmem:v30+s2+$0x0], $0xffff;
	v28 =	vor.u32 v18, v28  }
0x83: {  	v30 =	vor.u32 v10, v27;
	_ =	sdelay $0x2  }
0x84: {  	v31 =	vadd.s32 s2, v22  }
0x85: {  	[tilespmem:v28+s15+$0x0] =	vst.idx.msk $0xffff, v29;
	v28 =	vand.u32 $0x1FF8, v31  }
0x86: {  	v29 =	vld.idx.msk [tilespmem:v30+s2+$0x0], $0xffff;
	v28 =	vor.u32 v18, v28  }
0x87: {  	v30 =	vor.u32 v12, v27;
	_ =	sdelay $0x2  }
0x88: {  	v31 =	vadd.s32 s2, v23  }
0x89: {  	[tilespmem:v28+s15+$0x0] =	vst.idx.msk $0xffff, v29;
	v28 =	vand.u32 $0x1FF8, v31  }
0x8a: {  	v29 =	vld.idx.msk [tilespmem:v30+s2+$0x0], $0xffff;
	v28 =	vor.u32 v18, v28  }
0x8b: {  	v30 =	vor.u32 v14, v27;
	_ =	sdelay $0x2  }
0x8c: {  	v31 =	vadd.s32 s2, v24  }
0x8d: {  	[tilespmem:v28+s15+$0x0] =	vst.idx.msk $0xffff, v29;
	v28 =	vand.u32 $0x1FF8, v31  }
0x8e: {  	v29 =	vld.idx.msk [tilespmem:v30+s2+$0x0], $0xffff;
	v30 =	vor.u32 v18, v28  }
0x8f: {  	v27 =	vor.u32 v16, v27;
	_ =	sdelay $0x2  }
0x90: {  	s26 =	simm.s32 $0x8  }
0x91: {  	s28 =	simm.s32 $0x10;
	v28 =	vmov s26;
	s26 =	simm.s32 $0x0;
	[tilespmem:v30+s15+$0x0] =	vst.idx.msk $0xffff, v29;
	v29 =	vadd.s32 s2, v25  }
.LBB2_2:
0x92: {  	p0 =	sne.s32 s28, $0x78;
	v28 =	vshll.u32 v28, $0x5;
	v27 =	vld.idx.msk [tilespmem:v27+s2+$0x0], $0xffff;
	v29 =	vand.u32 $0x1FF8, v29  }
0x93: {  	v30 =	vor.u32 v2, v28;
	v29 =	vor.u32 v18, v29  }
0x94: {  	v31 =	vor.u32 v4, v30;
	_ =	sdelay $0x2  }
0x95: {  	s26 =	sadd.s32 $0x38, s26  }
0x96: {  	v32 =	vadd.s32 s26, v5;
	[tilespmem:v29+s15+$0x0] =	vst.idx.msk $0xffff, v27  }
0x97: {  	v29 =	vand.u32 $0x1FF8, v32;
	v27 =	vld.idx.msk [tilespmem:v31+s2+$0x0], $0xffff  }
0x98: {  	v29 =	vor.u32 v1, v29  }
0x99: {  	v31 =	vor.u32 v6, v30;
	_ =	sdelay $0x3  }
0x9a: {  	[tilespmem:v29+s15+$0x0] =	vst.idx.msk $0xffff, v27;
	v27 =	vadd.s32 s26, v7  }
0x9b: {  	v29 =	vld.idx.msk [tilespmem:v31+s2+$0x0], $0xffff;
	v27 =	vand.u32 $0x1FF8, v27  }
0x9c: {  	v27 =	vor.u32 v1, v27  }
0x9d: {  	v31 =	vor.u32 v8, v30;
	_ =	sdelay $0x3  }
0x9e: {  	[tilespmem:v27+s15+$0x0] =	vst.idx.msk $0xffff, v29;
	v27 =	vadd.s32 s26, v9  }
0x9f: {  	v29 =	vld.idx.msk [tilespmem:v31+s2+$0x0], $0xffff;
	v27 =	vand.u32 $0x1FF8, v27  }
0xa0: {  	v27 =	vor.u32 v1, v27  }
0xa1: {  	v31 =	vor.u32 v10, v30;
	_ =	sdelay $0x3  }
0xa2: {  	[tilespmem:v27+s15+$0x0] =	vst.idx.msk $0xffff, v29;
	v27 =	vadd.s32 s26, v11  }
0xa3: {  	v29 =	vld.idx.msk [tilespmem:v31+s2+$0x0], $0xffff;
	v27 =	vand.u32 $0x1FF8, v27  }
0xa4: {  	v27 =	vor.u32 v1, v27  }
0xa5: {  	v31 =	vor.u32 v12, v30;
	_ =	sdelay $0x3  }
0xa6: {  	[tilespmem:v27+s15+$0x0] =	vst.idx.msk $0xffff, v29;
	v27 =	vadd.s32 s26, v13  }
0xa7: {  	v29 =	vld.idx.msk [tilespmem:v31+s2+$0x0], $0xffff;
	v27 =	vand.u32 $0x1FF8, v27  }
0xa8: {  	v27 =	vor.u32 v1, v27  }
0xa9: {  	v31 =	vor.u32 v14, v30;
	_ =	sdelay $0x3  }
0xaa: {  	[tilespmem:v27+s15+$0x0] =	vst.idx.msk $0xffff, v29;
	v27 =	vadd.s32 s26, v15  }
0xab: {  	v29 =	vld.idx.msk [tilespmem:v31+s2+$0x0], $0xffff;
	v27 =	vand.u32 $0x1FF8, v27  }
0xac: {  	v27 =	vor.u32 v1, v27  }
0xad: {  	v30 =	vor.u32 v16, v30;
	_ =	sdelay $0x3  }
0xae: {  	[tilespmem:v27+s15+$0x0] =	vst.idx.msk $0xffff, v29;
	v27 =	vadd.s32 s26, v17  }
0xaf: {  	v29 =	vld.idx.msk [tilespmem:v30+s2+$0x0], $0xffff;
	v27 =	vand.u32 $0x1FF8, v27  }
0xb0: {  	v28 =	vor.u32 v3, v28;
	v27 =	vor.u32 v1, v27  }
0xb1: {  	v30 =	vor.u32 v4, v28;
	_ =	sdelay $0x3  }
0xb2: {  	[tilespmem:v27+s15+$0x0] =	vst.idx.msk $0xffff, v29;
	v27 =	vadd.s32 s26, v19  }
0xb3: {  	v29 =	vld.idx.msk [tilespmem:v30+s2+$0x0], $0xffff;
	v27 =	vand.u32 $0x1FF8, v27  }
0xb4: {  	v27 =	vor.u32 v18, v27  }
0xb5: {  	v30 =	vor.u32 v6, v28;
	_ =	sdelay $0x3  }
0xb6: {  	[tilespmem:v27+s15+$0x0] =	vst.idx.msk $0xffff, v29;
	v27 =	vadd.s32 s26, v20  }
0xb7: {  	v29 =	vld.idx.msk [tilespmem:v30+s2+$0x0], $0xffff;
	v27 =	vand.u32 $0x1FF8, v27  }
0xb8: {  	v27 =	vor.u32 v18, v27  }
0xb9: {  	v30 =	vor.u32 v8, v28;
	_ =	sdelay $0x3  }
0xba: {  	[tilespmem:v27+s15+$0x0] =	vst.idx.msk $0xffff, v29;
	v27 =	vadd.s32 s26, v21  }
0xbb: {  	v29 =	vld.idx.msk [tilespmem:v30+s2+$0x0], $0xffff;
	v27 =	vand.u32 $0x1FF8, v27  }
0xbc: {  	v27 =	vor.u32 v18, v27  }
0xbd: {  	v30 =	vor.u32 v10, v28;
	_ =	sdelay $0x3  }
0xbe: {  	[tilespmem:v27+s15+$0x0] =	vst.idx.msk $0xffff, v29;
	v27 =	vadd.s32 s26, v22  }
0xbf: {  	v29 =	vld.idx.msk [tilespmem:v30+s2+$0x0], $0xffff;
	v27 =	vand.u32 $0x1FF8, v27  }
0xc0: {  	v27 =	vor.u32 v18, v27  }
0xc1: {  	v30 =	vor.u32 v12, v28;
	_ =	sdelay $0x3  }
0xc2: {  	[tilespmem:v27+s15+$0x0] =	vst.idx.msk $0xffff, v29;
	v27 =	vadd.s32 s26, v23  }
0xc3: {  	v29 =	vld.idx.msk [tilespmem:v30+s2+$0x0], $0xffff;
	v27 =	vand.u32 $0x1FF8, v27  }
0xc4: {  	v27 =	vor.u32 v18, v27  }
0xc5: {  	v30 =	vor.u32 v14, v28;
	_ =	sdelay $0x3  }
0xc6: {  	[tilespmem:v27+s15+$0x0] =	vst.idx.msk $0xffff, v29;
	v27 =	vadd.s32 s26, v24  }
0xc7: {  	v29 =	vld.idx.msk [tilespmem:v30+s2+$0x0], $0xffff;
	v27 =	vand.u32 $0x1FF8, v27  }
0xc8: {  	v30 =	vor.u32 v18, v27  }
.Ltmp0:
0xc9: {  	v27 =	vor.u32 v16, v28;
	(pc) =	sbr.rel @p0 .LBB2_2-.Ltmp0, $2  }
0xca: {  	_ =	sdelay $0x2  }
0xcb: {  	v28 =	vmov s28;
	s28 =	sadd.s32 $0x8, s28;
	[tilespmem:v30+s15+$0x0] =	vst.idx.msk $0xffff, v29;
	v29 =	vadd.s32 s26, v25  }
0xcc: {  	_ =	sdelay $0x2  }
0xcd: {  	v28 =	vshll.u32 v28, $0x5;
	v29 =	vand.u32 $0x1FF8, v29  }
0xce: {  	v27 =	vld.idx.msk [tilespmem:v27+s2+$0x0], $0xffff;
	v30 =	vor.u32 v2, v28;
	v29 =	vor.u32 v18, v29  }
0xcf: {  	v31 =	vor.u32 v4, v30;
	_ =	sdelay $0x1  }
0xd0: {  	s26 =	sadd.s32 $0x38, s26  }
0xd1: {  	v32 =	vadd.s32 s26, v5  }
0xd2: {  	[tilespmem:v29+s15+$0x0] =	vst.idx.msk $0xffff, v27;
	v27 =	vand.u32 $0x1FF8, v32  }
0xd3: {  	v29 =	vld.idx.msk [tilespmem:v31+s2+$0x0], $0xffff;
	v27 =	vor.u32 v1, v27  }
0xd4: {  	v40 =	vor.u32 v6, v30;
	_ =	sdelay $0x2  }
0xd5: {  	v41 =	vadd.s32 s26, v7  }
0xd6: {  	[tilespmem:v27+s15+$0x0] =	vst.idx.msk $0xffff, v29;
	v27 =	vand.u32 $0x1FF8, v41  }
0xd7: {  	v29 =	vld.idx.msk [tilespmem:v40+s2+$0x0], $0xffff;
	v27 =	vor.u32 v1, v27  }
0xd8: {  	v42 =	vor.u32 v8, v30;
	_ =	sdelay $0x2  }
0xd9: {  	v43 =	vadd.s32 s26, v9  }
0xda: {  	[tilespmem:v27+s15+$0x0] =	vst.idx.msk $0xffff, v29;
	v27 =	vand.u32 $0x1FF8, v43  }
0xdb: {  	v29 =	vld.idx.msk [tilespmem:v42+s2+$0x0], $0xffff;
	v27 =	vor.u32 v1, v27  }
0xdc: {  	v44 =	vor.u32 v10, v30;
	_ =	sdelay $0x2  }
0xdd: {  	v45 =	vadd.s32 s26, v11  }
0xde: {  	[tilespmem:v27+s15+$0x0] =	vst.idx.msk $0xffff, v29;
	v27 =	vand.u32 $0x1FF8, v45  }
0xdf: {  	v29 =	vld.idx.msk [tilespmem:v44+s2+$0x0], $0xffff;
	v27 =	vor.u32 v1, v27  }
0xe0: {  	v46 =	vor.u32 v12, v30;
	_ =	sdelay $0x2  }
0xe1: {  	v47 =	vadd.s32 s26, v13  }
0xe2: {  	[tilespmem:v27+s15+$0x0] =	vst.idx.msk $0xffff, v29;
	v27 =	vand.u32 $0x1FF8, v47  }
0xe3: {  	v29 =	vld.idx.msk [tilespmem:v46+s2+$0x0], $0xffff;
	v27 =	vor.u32 v1, v27  }
0xe4: {  	v48 =	vor.u32 v14, v30;
	_ =	sdelay $0x2  }
0xe5: {  	v49 =	vadd.s32 s26, v15  }
0xe6: {  	[tilespmem:v27+s15+$0x0] =	vst.idx.msk $0xffff, v29;
	v27 =	vand.u32 $0x1FF8, v49  }
0xe7: {  	v29 =	vld.idx.msk [tilespmem:v48+s2+$0x0], $0xffff;
	v27 =	vor.u32 v1, v27  }
0xe8: {  	v30 =	vor.u32 v16, v30;
	_ =	sdelay $0x2  }
0xe9: {  	v50 =	vadd.s32 s26, v17  }
0xea: {  	[tilespmem:v27+s15+$0x0] =	vst.idx.msk $0xffff, v29;
	v27 =	vand.u32 $0x1FF8, v50  }
0xeb: {  	v28 =	vor.u32 v3, v28;
	v29 =	vld.idx.msk [tilespmem:v30+s2+$0x0], $0xffff;
	v27 =	vor.u32 v1, v27  }
0xec: {  	v51 =	vor.u32 v4, v28;
	_ =	sdelay $0x2  }
0xed: {  	v52 =	vadd.s32 s26, v19  }
0xee: {  	[tilespmem:v27+s15+$0x0] =	vst.idx.msk $0xffff, v29;
	v27 =	vand.u32 $0x1FF8, v52  }
0xef: {  	v29 =	vld.idx.msk [tilespmem:v51+s2+$0x0], $0xffff;
	v27 =	vor.u32 v18, v27  }
0xf0: {  	v53 =	vor.u32 v6, v28;
	_ =	sdelay $0x2  }
0xf1: {  	v54 =	vadd.s32 s26, v20  }
0xf2: {  	[tilespmem:v27+s15+$0x0] =	vst.idx.msk $0xffff, v29;
	v27 =	vand.u32 $0x1FF8, v54  }
0xf3: {  	v29 =	vld.idx.msk [tilespmem:v53+s2+$0x0], $0xffff;
	v27 =	vor.u32 v18, v27  }
0xf4: {  	v55 =	vor.u32 v8, v28;
	_ =	sdelay $0x2  }
0xf5: {  	v56 =	vadd.s32 s26, v21  }
0xf6: {  	[tilespmem:v27+s15+$0x0] =	vst.idx.msk $0xffff, v29;
	v27 =	vand.u32 $0x1FF8, v56  }
0xf7: {  	v29 =	vld.idx.msk [tilespmem:v55+s2+$0x0], $0xffff;
	v27 =	vor.u32 v18, v27  }
0xf8: {  	v57 =	vor.u32 v10, v28;
	_ =	sdelay $0x2  }
0xf9: {  	v58 =	vadd.s32 s26, v22  }
0xfa: {  	[tilespmem:v27+s15+$0x0] =	vst.idx.msk $0xffff, v29;
	v27 =	vand.u32 $0x1FF8, v58  }
0xfb: {  	v29 =	vld.idx.msk [tilespmem:v57+s2+$0x0], $0xffff;
	v27 =	vor.u32 v18, v27  }
0xfc: {  	v59 =	vor.u32 v12, v28;
	_ =	sdelay $0x2  }
0xfd: {  	v60 =	vadd.s32 s26, v23  }
0xfe: {  	[tilespmem:v27+s15+$0x0] =	vst.idx.msk $0xffff, v29;
	v27 =	vand.u32 $0x1FF8, v60  }
0xff: {  	v29 =	vld.idx.msk [tilespmem:v59+s2+$0x0], $0xffff;
	v27 =	vor.u32 v18, v27  }
0x100: {  	v61 =	vor.u32 v14, v28;
	_ =	sdelay $0x2  }
0x101: {  	v62 =	vadd.s32 s26, v24  }
0x102: {  	[tilespmem:v27+s15+$0x0] =	vst.idx.msk $0xffff, v29;
	v27 =	vand.u32 $0x1FF8, v62  }
0x103: {  	v29 =	vld.idx.msk [tilespmem:v61+s2+$0x0], $0xffff;
	v27 =	vor.u32 v18, v27  }
0x104: {  	v28 =	vor.u32 v16, v28;
	_ =	sdelay $0x2  }
0x105: {  	v63 =	vadd.s32 s26, v25  }
0x106: {  	[tilespmem:v27+s15+$0x0] =	vst.idx.msk $0xffff, v29;
	v27 =	vand.u32 $0x1FF8, v63  }
0x107: {  	v28 =	vld.idx.msk [tilespmem:v28+s2+$0x0], $0xffff;
	v27 =	vor.u32 v18, v27;
	_ =	sdelay $0x4  }
0x108: {  	[tilespmem:v27+s15+$0x0] =	vst.idx.msk $0xffff, v28  }
0x109: {  	[tilespmem:s17], [sflag:$0x1] =	stream.indirect.gather [hbm4b:s3+s16], $0x20, s15, s16, $0xb8;
	[tilespmem:$0x1F000] =	vst v63  }
0x10a: {  	_ = 	snop  }
0x10b: {  	[tilespmem:s18], [sflag:$0x2] =	stream.indirect.gather [hbm4b:s4+s16], $0x1, s15, s16, $0xb8;
	[tilespmem:$0x1F000] =	vst v63  }
0x10c: {  	_ =	swait.ge [sflag:s19], $0xE00  }
0x10d: {  	[sflag:s19] =	ssyncset.done $0x0  }
0x10e: {  	s28 =	simm.s32 $0x0;
	s26 =	simm.s32 $0x0;
	[sflag:s19] =	ssyncadd.s32 $0xFFFFF200  }
.LBB2_4:
0x10f: {  	s29 =	sshll.u32 s28, $0x4  }
0x110: {  	v27 =	vor.u32 s29, v0;
	s29 =	sand.u32 $0x3, s26  }
0x111: {  	v28 =	vshrl.u32 v27, $0x3;
	s29 =	smul.u32 $0x380, s29  }
0x112: {  	s30 =	sand.u32 $0x38, s26;
	v28 =	vmul.u32 $0x38, v28  }
0x113: {  	s29 =	sor.u32 s29, s30  }
0x114: {  	s30 =	simm.s32 $0x1;
	v29 =	vadd.s32 s29, v28  }
0x115: {  	s29 =	sand.u32 $0x3, s30;
	v30 =	vor.u32 v26, v29  }
0x116: {  	s30 =	smul.u32 $0x380, s29;
	s29 =	simm.s32 $0x2  }
0x117: {  	s31 =	sand.u32 $0x38, s29  }
0x118: {  	s30 =	sor.u32 s30, s31  }
0x119: {  	v31 =	vadd.s32 s30, v28  }
0x11a: {  	v29 =	vimm.f32 $0.0e+00;
	s30 =	simm.s32 $0x2;
	v31 =	vor.u32 v26, v31;
	v30 =	vld.idx.msk [tilespmem:v30+s18+$0x0], $0xffff  }
.LBB2_5:
0x11b: {  	s31 =	sand.u32 $0x3, s30  }
0x11c: {  	p0 =	sne.s32 s30, $0x19;
	s30 =	sadd.s32 $0x1, s30;
	s31 =	smul.u32 $0x380, s31  }
.Ltmp1:
0x11d: {  	s29 =	sadd.s32 $0x2, s29;
	(pc) =	sbr.rel @p0 .LBB2_5-.Ltmp1, $4  }
0x11e: {  	s0 =	sand.u32 $0x38, s29  }
0x11f: {  	s0 =	sor.u32 s31, s0  }
0x120: {  	v29 =	vadd.f32 v30, v29;
	v32 =	vadd.s32 s0, v28;
	v30 =	vld.idx.msk [tilespmem:v31+s18+$0x0], $0xffff  }
0x121: {  	v31 =	vor.u32 v26, v32  }
0x122: {  	_ =	sdelay $0x3  }
0x123: {  	v28 =	vld.idx.msk [tilespmem:v31+s18+$0x0], $0xffff  }
0x124: {  	s28 =	sadd.s32 $0x1, s28  }
0x125: {  	v27 =	vshll.u32 v27, $0x3;
	p0 =	sne.s32 s28, $0x8  }
.Ltmp2:
0x126: {  	v29 =	vadd.f32 v30, v29;
	(pc) =	sbr.rel @p0 .LBB2_4-.Ltmp2, $3  }
0x127: {  	_ = 	snop  }
0x128: {  	v28 =	vadd.f32 v28, v29;
	_ =	sdelay $0x1  }
0x129: {  	[tilespmem:v27+s20+$0x0] =	vst.idx.msk $0xffff, v28  }
0x12a: {  	_ =	swait.ge [sflag:s21], $0x1C000  }
0x12b: {  	[sflag:s21] =	ssyncset.done $0x0  }
0x12c: {  	[sflag:s21] =	ssyncadd.s32 $0xFFFE4000  }
0x12d: {  	[hbm4b:s6+s12] =	stream.strided.scatter [tilespmem:s17], [sflag:$0x3], $0x7000, s13, s12, $0x38;
	[tilespmem:$0x1F000] =	vst v63  }
0x12e: {  	_ =	swait.ge [sflag:s14], $0x7000  }
0x12f: {  	[sflag:s14] =	ssyncset.done $0x0  }
0x130: {  	[sflag:s14] =	ssyncadd.s32 $0xFFFF9000  }
0x131: {  	[hbm4b:s7+s12] =	stream.strided.scatter [tilespmem:s22], [sflag:$0x3], $0x7000, s13, s12, $0x38;
	[tilespmem:$0x1F000] =	vst v63  }
0x132: {  	_ =	swait.ge [sflag:s14], $0x7000  }
0x133: {  	[sflag:s14] =	ssyncset.done $0x0  }
0x134: {  	[sflag:s14] =	ssyncadd.s32 $0xFFFF9000  }
0x135: {  	[hbm4b:s8+s12] =	stream.strided.scatter [tilespmem:s23], [sflag:$0x3], $0x7000, s13, s12, $0x38;
	[tilespmem:$0x1F000] =	vst v63  }
0x136: {  	_ =	swait.ge [sflag:s14], $0x7000  }
0x137: {  	[sflag:s14] =	ssyncset.done $0x0  }
0x138: {  	[sflag:s14] =	ssyncadd.s32 $0xFFFF9000  }
0x139: {  	[hbm4b:s9+s12] =	stream.strided.scatter [tilespmem:s24], [sflag:$0x3], $0x7000, s13, s12, $0x38;
	[tilespmem:$0x1F000] =	vst v63  }
0x13a: {  	_ =	swait.ge [sflag:s14], $0x7000  }
0x13b: {  	s26 =	simm.s32 $0x1EC00;
	s28 =	simm.s32 $0x10;
	[sflag:s14] =	ssyncset.done $0x0  }
0x13c: {  	s30 =	sadd.s32 $0x0, s10;
	s29 =	simm.s32 $0x1EC08;
	[sflag:s14] =	ssyncadd.s32 $0xFFFF9000  }
.LBB2_8:
0x13d: {  	[hbm4b:s30+s2] =	stream.linear.scatter [tilespmem:s26], [sflag:$0x3], $0x1, $0x38;
	[tilespmem:$0x1F000] =	vst v63  }
0x13e: {  	s0 =	smov.u32 s28;
	s26 =	smov.u32 s29;
	p0 =	sne.s32 s28, $0x7F0  }
.Ltmp3:
0x13f: {  	s28 =	sadd.s32 $0x10, s28;
	(pc) =	sbr.rel @p0 .LBB2_8-.Ltmp3, $2  }
0x140: {  	_ =	sdelay $0x2  }
0x141: {  	s29 =	sadd.s32 $0x8, s29;
	s30 =	sadd.s32 s0, s10  }
0x142: {  	s25 =	sadd.s32 $0x1, s25  }
0x143: {  	p0 =	sne.s32 s25, s11  }
.Ltmp4:
0x144: {  	_ = 	snop;
	(pc) =	sbr.rel @p0 .LBB2_1-.Ltmp4, $4  }
0x145: {  	[hbm4b:s30+s2] =	stream.linear.scatter [tilespmem:s26], [sflag:$0x3], $0x1, $0x38;
	[tilespmem:$0x1F000] =	vst v63  }
0x146: {  	_ =	swait.ge [sflag:s14], $0x80  }
0x147: {  	[sflag:s14] =	ssyncset.done $0x0  }
0x148: {  	[sflag:s14] =	ssyncadd.s32 $0xFFFFFF80  }
0x149: {  	_ =	sfence.sel $0x180000  }
0x14a: {  	[bflag:$0x0] =	sbarrier.arrive $0xFFFF  }
0x14b: {  	_ =	strace $0x90000047  }
0x14c: {  	[bflag:$0x2] =	sbarrier.arrive $0xFFFF  }
0x14d: {  	p0 =	sne.s32 s1, $0x0;
	s0 =	rddreg [dreg:$0x1]  }
0x14e: {  	s0 =	sadd.s32 @!p0 $0x100000, s0  }
0x14f: {  	[sflag:s0] =	ssyncadd.tile.s32 @!p0 $0x1;
	_ =	shalt  }
.Lfunc_end2:
_tile_overlayer_lowered:
.L_overlay_start_2:
0x150: {  	(tag) =	ssettag $0x2  }
0x151: {  	s0 =	rddreg [dreg:$0x0];
	s2 =	stileid.u32  }
0x152: {  	s1 =	rddreg [dreg:$0x1];
	p0 =	sne.s32 s2, $0x0  }
0x153: {  	s3 =	rddreg [dreg:$0x2];
	[bflag:$0x3] =	sbarrier.arrive $0xFFFF;
	s2 =	simm.s32 @!p0 $0x1C03  }
0x154: {  	[timem:s3], [sflag:s2] =	dma.local @!p0 [hbm:s0], s1  }
0x155: {  	s0 =	simm.s32 @!p0 $0x3  }
0x156: {  	_ =	swait.ge @!p0 [sflag:s0], s1  }
0x157: {  	s1 =	ssub.s32 @!p0 $0x0, s1;
	[sflag:s0] =	ssyncset.done @!p0 $0x0  }
0x158: {  	[sflag:s0] =	ssyncadd.s32 @!p0 s1  }
0x159: {  	[bflag:$0x3] =	sbarrier.arrive $0xFFFF  }
0x15a: {  	_ =	shalt  }

</sc_bundles>
